<compile_context>
chip_gen: v7x
topology: tpu7x:2x2x1
jax: 0.10.2.dev20260603
libtpu: 0.0.44.dev20260713+nightly
codegen_flags: <defaults>
</compile_context>

<pallas_src>
import jax
import jax.numpy as jnp
from jax import lax
from jax.experimental import pallas as pl
from jax.experimental.pallas import tpu as pltpu
from jax.experimental.pallas import tpu_sc as plsc

_N_TRAIN = 100000
_DIM = 64
_BATCH = 1024
_K = 16
_N_CLASSES = 10

_RB = 512
_BT = 1024
_NBT = (_N_TRAIN + _BT - 1) // _BT
_NTP = _NBT * _BT

_INF = float("inf")
_BIGF = 3.0e8


def _topk_body(x_ref, t_ref, vals_ref, idx_ref, topv, topi, dscr, x2s):
    j = pl.program_id(1)

    @pl.when(j == 0)
    def _():
        topv[...] = jnp.full((_RB, _K), _INF, jnp.float32)
        topi[...] = jnp.zeros((_RB, _K), jnp.int32)
        xb0 = x_ref[...]
        x2s[...] = jnp.sum(xb0 * xb0, axis=1, keepdims=True)

    xb = x_ref[...]
    tb = t_ref[...]
    x2 = x2s[...]
    t2 = jnp.sum(tb * tb, axis=0, keepdims=True)
    xt = jnp.dot(xb, tb, preferred_element_type=jnp.float32,
                 precision=lax.Precision.DEFAULT)
    sq = x2 + t2 - 2.0 * xt

    gcol = (jnp.float32(j * _BT)
            + lax.broadcasted_iota(jnp.int32, (_RB, _BT), 1)
            .astype(jnp.float32))
    dscr[...] = jnp.sqrt(jnp.maximum(sq, 1e-12))
    d = dscr[...]

    thresh = topv[...][:, _K - 1:_K]
    cnt = jnp.sum(jnp.where(d < thresh, 1.0, 0.0), axis=1)
    npass = jnp.minimum(jnp.max(cnt), jnp.float32(_K))

    k_iota = lax.broadcasted_iota(jnp.int32, (_RB, _K), 1)
    for t in range(_K):
        @pl.when(t < npass)
        def _():
            dd = dscr[...]
            m = jnp.min(dd, axis=1, keepdims=True)
            a = jnp.min(jnp.where(dd == m, gcol, _BIGF), axis=1,
                        keepdims=True)
            dscr[...] = jnp.where(gcol == a, _INF, dd)
            a_i = a.astype(jnp.int32)
            v = topv[...]
            ii = topi[...]
            pos = jnp.sum((v <= m).astype(jnp.int32), axis=1, keepdims=True)
            vprev = jnp.concatenate(
                [jnp.full((_RB, 1), _INF, jnp.float32), v[:, :_K - 1]],
                axis=1)
            iprev = jnp.concatenate(
                [jnp.zeros((_RB, 1), jnp.int32), ii[:, :_K - 1]], axis=1)
            topv[...] = jnp.where(
                k_iota < pos, v, jnp.where(k_iota == pos, m, vprev))
            topi[...] = jnp.where(
                k_iota < pos, ii, jnp.where(k_iota == pos, a_i, iprev))

    @pl.when(j == _NBT - 1)
    def _():
        vals_ref[...] = topv[...]
        idx_ref[...] = topi[...]


def _run_topk(x, td_t):
    return pl.pallas_call(
        _topk_body,
        grid=(_BATCH // _RB, _NBT),
        in_specs=[
            pl.BlockSpec((_RB, _DIM), lambda i, j: (i, 0)),
            pl.BlockSpec((_DIM, _BT), lambda i, j: (0, j)),
        ],
        out_specs=[
            pl.BlockSpec((_RB, _K), lambda i, j: (i, 0)),
            pl.BlockSpec((_RB, _K), lambda i, j: (i, 0)),
        ],
        out_shape=[
            jax.ShapeDtypeStruct((_BATCH, _K), jnp.float32),
            jax.ShapeDtypeStruct((_BATCH, _K), jnp.int32),
        ],
        scratch_shapes=[
            pltpu.VMEM((_RB, _K), jnp.float32),
            pltpu.VMEM((_RB, _K), jnp.int32),
            pltpu.VMEM((_RB, _BT), jnp.float32),
            pltpu.VMEM((_RB, 1), jnp.float32),
        ],
        compiler_params=pltpu.CompilerParams(
            dimension_semantics=("parallel", "arbitrary")),
    )(x, td_t)


_NW = 32
_GPW = _BATCH * _K // _NW
_CH = 128
_NCH = _GPW // _CH


def _sc_gather_body(labels_hbm, idx_hbm, out_hbm, idx_v, lab_v, sem):
    c = lax.axis_index("c")
    s = lax.axis_index("s")
    wid = s * 2 + c
    pltpu.sync_copy(idx_hbm.at[wid], idx_v)
    for t in range(_NCH):
        pltpu.async_copy(labels_hbm.at[idx_v.at[t]], lab_v.at[t], sem).wait()
    pltpu.sync_copy(lab_v, out_hbm.at[wid])


def _run_sc_gather(train_labels, idx):
    idx3 = idx.reshape(_NW, _NCH, _CH)
    mesh = plsc.VectorSubcoreMesh(core_axis_name="c", subcore_axis_name="s")
    kern = pl.kernel(
        _sc_gather_body,
        out_type=jax.ShapeDtypeStruct((_NW, _NCH, _CH), jnp.int32),
        mesh=mesh,
        scratch_types=[
            pltpu.VMEM((_NCH, _CH), jnp.int32),
            pltpu.VMEM((_NCH, _CH), jnp.int32),
            pltpu.SemaphoreType.DMA,
        ],
    )
    return kern(train_labels, idx3).reshape(_BATCH, _K)


def _vote_body(vals_ref, lab_ref, pred_ref, proba_ref):
    d = vals_ref[...]
    lab = lab_ref[...]
    w = 1.0 / d
    cls = lax.broadcasted_iota(jnp.int32, (_BATCH, _N_CLASSES), 1)
    acc = jnp.zeros((_BATCH, _N_CLASSES), jnp.float32)
    for k in range(_K):
        acc = acc + jnp.where(cls == lab[:, k:k + 1], w[:, k:k + 1], 0.0)
    s = jnp.sum(acc, axis=1, keepdims=True)
    s = jnp.where(s == 0.0, 1.0, s)
    proba = acc / s
    proba_ref[...] = proba
    m = jnp.max(proba, axis=1, keepdims=True)
    pred_ref[...] = jnp.min(
        jnp.where(proba == m, cls, _N_CLASSES), axis=1,
        keepdims=True)


def _run_vote(vals, labels):
    return pl.pallas_call(
        _vote_body,
        out_shape=[
            jax.ShapeDtypeStruct((_BATCH, 1), jnp.int32),
            jax.ShapeDtypeStruct((_BATCH, _N_CLASSES), jnp.float32),
        ],
    )(vals, labels)


def kernel(x, train_data, train_labels):
    td_t = jnp.pad(train_data, ((0, _NTP - _N_TRAIN), (0, 0)),
                   constant_values=1e18).T
    vals, idx = _run_topk(x, td_t)
    labels = _run_sc_gather(train_labels, idx)
    pred, proba = _run_vote(vals, labels)
    return (pred.reshape(_BATCH), proba)

# --- scband reference (transcript-rebuilt; emitter-appended) ---
"""Pipeline reference for scband-kneighbors-model-62294205661725 (READ-ONLY COPY).

The authoritative reference and input builder live on the scoring server;
editing this copy changes nothing except your own understanding.
"""

import jax, jax.numpy as jnp
import numpy as np

N_TRAIN = 100000
DIM = 64
BATCH = 1024
K_NEIGHBORS = 16
N_CLASSES = 10


def setup_inputs(seed: int = 0) -> dict:
    key = jax.random.key(seed)
    kx, kt, kl = jax.random.split(key, 3)
    x = jax.random.normal(kx, (BATCH, DIM), dtype=jnp.float32)
    train_data = jax.random.normal(kt, (N_TRAIN, DIM), dtype=jnp.float32)
    train_labels = jax.random.randint(kl, (N_TRAIN,), 0, N_CLASSES, dtype=jnp.int32)
    return {"x": x, "train_data": train_data, "train_labels": train_labels}


def reference(x, train_data, train_labels):
    # minkowski p=2 pairwise distances: [BATCH, N_TRAIN]
    x2 = jnp.sum(x * x, axis=1, keepdims=True)
    t2 = jnp.sum(train_data * train_data, axis=1)[None, :]
    sq = x2 + t2 - 2.0 * (x @ train_data.T)
    dist = jnp.sqrt(jnp.maximum(sq, 1e-12))
    # top-k smallest distances
    neg_d, idx = jax.lax.top_k(-dist, K_NEIGHBORS)
    d = -neg_d  # [BATCH, K]
    labels = jnp.take(train_labels, idx, axis=0)  # [BATCH, K] gather
    # weights == 'distance'
    w = 1.0 / d
    inf_mask = jnp.isinf(w)
    inf_row = jnp.any(inf_mask, axis=1)
    w = jnp.where(inf_row[:, None], inf_mask.astype(jnp.float32), w)
    # scatter-add class votes
    rows = jnp.arange(BATCH)[:, None]
    proba = jnp.zeros((BATCH, N_CLASSES), dtype=jnp.float32).at[rows, labels].add(w)
    s = jnp.sum(proba, axis=1, keepdims=True)
    s = jnp.where(s == 0.0, 1.0, s)
    proba = proba / s
    pred = jnp.argmax(proba, axis=1)
    # classes are 0..n_classes-1 so perform_class_select is False
    return (pred, proba)

if __name__ == "__main__":
    import jax
    _d = setup_inputs()
    print(jax.jit(kernel)(*tuple(_d.values())))

</pallas_src>

<mosaic_0001>
#map = affine_map<(d0, d1) -> (0)>
#map1 = affine_map<(d0, d1) -> (0, 0, 0)>
module attributes {stable_mosaic.version = 14 : i64} {
  func.func @_sc_gather_body(%arg0: i32, %arg1: i32, %arg2: memref<100000xi32, #tpu.memory_space<hbm>>, %arg3: memref<32x4x128xi32, #tpu.memory_space<hbm>>, %arg4: memref<32x4x128xi32, #tpu.memory_space<hbm>>, %arg5: memref<4x128xi32, #tpu.memory_space<vmem>>, %arg6: memref<4x128xi32, #tpu.memory_space<vmem>>, %arg7: memref<!tpu.dma_semaphore, #tpu.memory_space<semaphore_mem>>) attributes {dimension_semantics = [#tpu.dimension_semantics<core_parallel>, #tpu.dimension_semantics<subcore_parallel>], iteration_bounds = array<i64: 2, 16>, scalar_prefetch = 0 : i64, scratch_operands = 3 : i64, tpu.core_type = #tpu.core_type<sc_vector_subcore>, window_params = [{transform_indices = #map}, {transform_indices = #map1}, {transform_indices = #map1}]} {
    %mul3A = arith.constant 2 : i32
    %mul3A_0 = arith.muli %arg1, %mul3A : i32
    %add3A = arith.addi %mul3A_0, %arg0 : i32
    "tpu.region"() ({
      %run_scoped3A = tpu.sem_alloc : memref<!tpu.dma_semaphore, #tpu.memory_space<semaphore_mem>>
      %dma_start3A_79 = arith.constant 0 : i32
      %dma_start3A_80 = arith.constant 0 : i32
      %dma_start3A_81 = tpu.memref_slice %arg3[%add3A, %dma_start3A_79, %dma_start3A_80] : memref<32x4x128xi32, #tpu.memory_space<hbm>> -> memref<1x4x128xi32, #tpu.memory_space<hbm>>
      %dma_start3A_82 = tpu.memref_squeeze %dma_start3A_81 : memref<1x4x128xi32, #tpu.memory_space<hbm>> -> memref<4x128xi32, #tpu.memory_space<hbm>>
      %dma_start3A_83 = arith.constant 0 : i32
      %dma_start3A_84 = arith.constant 0 : i32
      %dma_start3A_85 = tpu.memref_slice %arg3[%add3A, %dma_start3A_83, %dma_start3A_84] : memref<32x4x128xi32, #tpu.memory_space<hbm>> -> memref<1x4x128xi32, #tpu.memory_space<hbm>>
      %dma_start3A_86 = tpu.memref_squeeze %dma_start3A_85 : memref<1x4x128xi32, #tpu.memory_space<hbm>> -> memref<4x128xi32, #tpu.memory_space<hbm>>
      tpu.enqueue_dma source(%dma_start3A_86 : memref<4x128xi32, #tpu.memory_space<hbm>>) target(%arg5 : memref<4x128xi32, #tpu.memory_space<vmem>>) target_semaphore(%run_scoped3A : memref<!tpu.dma_semaphore, #tpu.memory_space<semaphore_mem>>)
      %dma_wait3A_87 = arith.constant 0 : i32
      %dma_wait3A_88 = arith.constant 0 : i32
      %dma_wait3A_89 = tpu.memref_slice %arg3[%add3A, %dma_wait3A_87, %dma_wait3A_88] : memref<32x4x128xi32, #tpu.memory_space<hbm>> -> memref<1x4x128xi32, #tpu.memory_space<hbm>>
      %dma_wait3A_90 = tpu.memref_squeeze %dma_wait3A_89 : memref<1x4x128xi32, #tpu.memory_space<hbm>> -> memref<4x128xi32, #tpu.memory_space<hbm>>
      %dma_wait3A_91 = arith.constant 0 : i32
      %dma_wait3A_92 = arith.constant 0 : i32
      %dma_wait3A_93 = tpu.memref_slice %arg3[%add3A, %dma_wait3A_91, %dma_wait3A_92] : memref<32x4x128xi32, #tpu.memory_space<hbm>> -> memref<1x4x128xi32, #tpu.memory_space<hbm>>
      %dma_wait3A_94 = tpu.memref_squeeze %dma_wait3A_93 : memref<1x4x128xi32, #tpu.memory_space<hbm>> -> memref<4x128xi32, #tpu.memory_space<hbm>>
      tpu.wait_dma2 semaphore(%run_scoped3A : memref<!tpu.dma_semaphore, #tpu.memory_space<semaphore_mem>>) src(%dma_wait3A_94 : memref<4x128xi32, #tpu.memory_space<hbm>>) dst(%arg5 : memref<4x128xi32, #tpu.memory_space<vmem>>)
      tpu.yield
    }) : () -> ()
    %dma_start3A = arith.constant 0 : i32
    %dma_start3A_1 = arith.constant 0 : i32
    %dma_start3A_2 = arith.constant 0 : i32
    %dma_start3A_3 = tpu.memref_slice %arg6[%dma_start3A_1, %dma_start3A_2] : memref<4x128xi32, #tpu.memory_space<vmem>> -> memref<1x128xi32, #tpu.memory_space<vmem>>
    %dma_start3A_4 = tpu.memref_squeeze %dma_start3A_3 : memref<1x128xi32, #tpu.memory_space<vmem>> -> memref<128xi32, #tpu.memory_space<vmem>>
    %dma_start3A_5 = arith.constant 0 : i32
    %dma_start3A_6 = tpu.memref_slice %arg5[%dma_start3A, %dma_start3A_5] : memref<4x128xi32, #tpu.memory_space<vmem>> -> memref<1x128xi32, #tpu.memory_space<vmem>>
    %dma_start3A_7 = tpu.memref_squeeze %dma_start3A_6 : memref<1x128xi32, #tpu.memory_space<vmem>> -> memref<128xi32, #tpu.memory_space<vmem>>
    %dma_start3A_8 = arith.constant 0 : i32
    %dma_start3A_9 = tpu.memref_slice %arg2[%dma_start3A_8] : memref<100000xi32, #tpu.memory_space<hbm>> -> memref<100000xi32, #tpu.memory_space<hbm>>
    tpu.enqueue_indirect_dma source(%dma_start3A_9 : memref<100000xi32, #tpu.memory_space<hbm>>) target(%dma_start3A_4 : memref<128xi32, #tpu.memory_space<vmem>>) offsets(%dma_start3A_7 : memref<128xi32, #tpu.memory_space<vmem>>) semaphore(%arg7 : memref<!tpu.dma_semaphore, #tpu.memory_space<semaphore_mem>>)
    %dma_wait3A = arith.constant 0 : i32
    %dma_wait3A_10 = arith.constant 0 : i32
    %dma_wait3A_11 = arith.constant 0 : i32
    %dma_wait3A_12 = tpu.memref_slice %arg6[%dma_wait3A_10, %dma_wait3A_11] : memref<4x128xi32, #tpu.memory_space<vmem>> -> memref<1x128xi32, #tpu.memory_space<vmem>>
    %dma_wait3A_13 = tpu.memref_squeeze %dma_wait3A_12 : memref<1x128xi32, #tpu.memory_space<vmem>> -> memref<128xi32, #tpu.memory_space<vmem>>
    %dma_wait3A_14 = arith.constant 0 : i32
    %dma_wait3A_15 = tpu.memref_slice %arg5[%dma_wait3A, %dma_wait3A_14] : memref<4x128xi32, #tpu.memory_space<vmem>> -> memref<1x128xi32, #tpu.memory_space<vmem>>
    %dma_wait3A_16 = tpu.memref_squeeze %dma_wait3A_15 : memref<1x128xi32, #tpu.memory_space<vmem>> -> memref<128xi32, #tpu.memory_space<vmem>>
    %dma_wait3A_17 = arith.constant 0 : i32
    %dma_wait3A_18 = tpu.memref_slice %arg2[%dma_wait3A_17] : memref<100000xi32, #tpu.memory_space<hbm>> -> memref<100000xi32, #tpu.memory_space<hbm>>
    tpu.wait_indirect_dma semaphore(%arg7 : memref<!tpu.dma_semaphore, #tpu.memory_space<semaphore_mem>>) src(%dma_wait3A_18 : memref<100000xi32, #tpu.memory_space<hbm>>) dst(%dma_wait3A_13 : memref<128xi32, #tpu.memory_space<vmem>>)
    %dma_start3A_19 = arith.constant 1 : i32
    %dma_start3A_20 = arith.constant 1 : i32
    %dma_start3A_21 = arith.constant 0 : i32
    %dma_start3A_22 = tpu.memref_slice %arg6[%dma_start3A_20, %dma_start3A_21] : memref<4x128xi32, #tpu.memory_space<vmem>> -> memref<1x128xi32, #tpu.memory_space<vmem>>
    %dma_start3A_23 = tpu.memref_squeeze %dma_start3A_22 : memref<1x128xi32, #tpu.memory_space<vmem>> -> memref<128xi32, #tpu.memory_space<vmem>>
    %dma_start3A_24 = arith.constant 0 : i32
    %dma_start3A_25 = tpu.memref_slice %arg5[%dma_start3A_19, %dma_start3A_24] : memref<4x128xi32, #tpu.memory_space<vmem>> -> memref<1x128xi32, #tpu.memory_space<vmem>>
    %dma_start3A_26 = tpu.memref_squeeze %dma_start3A_25 : memref<1x128xi32, #tpu.memory_space<vmem>> -> memref<128xi32, #tpu.memory_space<vmem>>
    %dma_start3A_27 = arith.constant 0 : i32
    %dma_start3A_28 = tpu.memref_slice %arg2[%dma_start3A_27] : memref<100000xi32, #tpu.memory_space<hbm>> -> memref<100000xi32, #tpu.memory_space<hbm>>
    tpu.enqueue_indirect_dma source(%dma_start3A_28 : memref<100000xi32, #tpu.memory_space<hbm>>) target(%dma_start3A_23 : memref<128xi32, #tpu.memory_space<vmem>>) offsets(%dma_start3A_26 : memref<128xi32, #tpu.memory_space<vmem>>) semaphore(%arg7 : memref<!tpu.dma_semaphore, #tpu.memory_space<semaphore_mem>>)
    %dma_wait3A_29 = arith.constant 1 : i32
    %dma_wait3A_30 = arith.constant 1 : i32
    %dma_wait3A_31 = arith.constant 0 : i32
    %dma_wait3A_32 = tpu.memref_slice %arg6[%dma_wait3A_30, %dma_wait3A_31] : memref<4x128xi32, #tpu.memory_space<vmem>> -> memref<1x128xi32, #tpu.memory_space<vmem>>
    %dma_wait3A_33 = tpu.memref_squeeze %dma_wait3A_32 : memref<1x128xi32, #tpu.memory_space<vmem>> -> memref<128xi32, #tpu.memory_space<vmem>>
    %dma_wait3A_34 = arith.constant 0 : i32
    %dma_wait3A_35 = tpu.memref_slice %arg5[%dma_wait3A_29, %dma_wait3A_34] : memref<4x128xi32, #tpu.memory_space<vmem>> -> memref<1x128xi32, #tpu.memory_space<vmem>>
    %dma_wait3A_36 = tpu.memref_squeeze %dma_wait3A_35 : memref<1x128xi32, #tpu.memory_space<vmem>> -> memref<128xi32, #tpu.memory_space<vmem>>
    %dma_wait3A_37 = arith.constant 0 : i32
    %dma_wait3A_38 = tpu.memref_slice %arg2[%dma_wait3A_37] : memref<100000xi32, #tpu.memory_space<hbm>> -> memref<100000xi32, #tpu.memory_space<hbm>>
    tpu.wait_indirect_dma semaphore(%arg7 : memref<!tpu.dma_semaphore, #tpu.memory_space<semaphore_mem>>) src(%dma_wait3A_38 : memref<100000xi32, #tpu.memory_space<hbm>>) dst(%dma_wait3A_33 : memref<128xi32, #tpu.memory_space<vmem>>)
    %dma_start3A_39 = arith.constant 2 : i32
    %dma_start3A_40 = arith.constant 2 : i32
    %dma_start3A_41 = arith.constant 0 : i32
    %dma_start3A_42 = tpu.memref_slice %arg6[%dma_start3A_40, %dma_start3A_41] : memref<4x128xi32, #tpu.memory_space<vmem>> -> memref<1x128xi32, #tpu.memory_space<vmem>>
    %dma_start3A_43 = tpu.memref_squeeze %dma_start3A_42 : memref<1x128xi32, #tpu.memory_space<vmem>> -> memref<128xi32, #tpu.memory_space<vmem>>
    %dma_start3A_44 = arith.constant 0 : i32
    %dma_start3A_45 = tpu.memref_slice %arg5[%dma_start3A_39, %dma_start3A_44] : memref<4x128xi32, #tpu.memory_space<vmem>> -> memref<1x128xi32, #tpu.memory_space<vmem>>
    %dma_start3A_46 = tpu.memref_squeeze %dma_start3A_45 : memref<1x128xi32, #tpu.memory_space<vmem>> -> memref<128xi32, #tpu.memory_space<vmem>>
    %dma_start3A_47 = arith.constant 0 : i32
    %dma_start3A_48 = tpu.memref_slice %arg2[%dma_start3A_47] : memref<100000xi32, #tpu.memory_space<hbm>> -> memref<100000xi32, #tpu.memory_space<hbm>>
    tpu.enqueue_indirect_dma source(%dma_start3A_48 : memref<100000xi32, #tpu.memory_space<hbm>>) target(%dma_start3A_43 : memref<128xi32, #tpu.memory_space<vmem>>) offsets(%dma_start3A_46 : memref<128xi32, #tpu.memory_space<vmem>>) semaphore(%arg7 : memref<!tpu.dma_semaphore, #tpu.memory_space<semaphore_mem>>)
    %dma_wait3A_49 = arith.constant 2 : i32
    %dma_wait3A_50 = arith.constant 2 : i32
    %dma_wait3A_51 = arith.constant 0 : i32
    %dma_wait3A_52 = tpu.memref_slice %arg6[%dma_wait3A_50, %dma_wait3A_51] : memref<4x128xi32, #tpu.memory_space<vmem>> -> memref<1x128xi32, #tpu.memory_space<vmem>>
    %dma_wait3A_53 = tpu.memref_squeeze %dma_wait3A_52 : memref<1x128xi32, #tpu.memory_space<vmem>> -> memref<128xi32, #tpu.memory_space<vmem>>
    %dma_wait3A_54 = arith.constant 0 : i32
    %dma_wait3A_55 = tpu.memref_slice %arg5[%dma_wait3A_49, %dma_wait3A_54] : memref<4x128xi32, #tpu.memory_space<vmem>> -> memref<1x128xi32, #tpu.memory_space<vmem>>
    %dma_wait3A_56 = tpu.memref_squeeze %dma_wait3A_55 : memref<1x128xi32, #tpu.memory_space<vmem>> -> memref<128xi32, #tpu.memory_space<vmem>>
    %dma_wait3A_57 = arith.constant 0 : i32
    %dma_wait3A_58 = tpu.memref_slice %arg2[%dma_wait3A_57] : memref<100000xi32, #tpu.memory_space<hbm>> -> memref<100000xi32, #tpu.memory_space<hbm>>
    tpu.wait_indirect_dma semaphore(%arg7 : memref<!tpu.dma_semaphore, #tpu.memory_space<semaphore_mem>>) src(%dma_wait3A_58 : memref<100000xi32, #tpu.memory_space<hbm>>) dst(%dma_wait3A_53 : memref<128xi32, #tpu.memory_space<vmem>>)
    %dma_start3A_59 = arith.constant 3 : i32
    %dma_start3A_60 = arith.constant 3 : i32
    %dma_start3A_61 = arith.constant 0 : i32
    %dma_start3A_62 = tpu.memref_slice %arg6[%dma_start3A_60, %dma_start3A_61] : memref<4x128xi32, #tpu.memory_space<vmem>> -> memref<1x128xi32, #tpu.memory_space<vmem>>
    %dma_start3A_63 = tpu.memref_squeeze %dma_start3A_62 : memref<1x128xi32, #tpu.memory_space<vmem>> -> memref<128xi32, #tpu.memory_space<vmem>>
    %dma_start3A_64 = arith.constant 0 : i32
    %dma_start3A_65 = tpu.memref_slice %arg5[%dma_start3A_59, %dma_start3A_64] : memref<4x128xi32, #tpu.memory_space<vmem>> -> memref<1x128xi32, #tpu.memory_space<vmem>>
    %dma_start3A_66 = tpu.memref_squeeze %dma_start3A_65 : memref<1x128xi32, #tpu.memory_space<vmem>> -> memref<128xi32, #tpu.memory_space<vmem>>
    %dma_start3A_67 = arith.constant 0 : i32
    %dma_start3A_68 = tpu.memref_slice %arg2[%dma_start3A_67] : memref<100000xi32, #tpu.memory_space<hbm>> -> memref<100000xi32, #tpu.memory_space<hbm>>
    tpu.enqueue_indirect_dma source(%dma_start3A_68 : memref<100000xi32, #tpu.memory_space<hbm>>) target(%dma_start3A_63 : memref<128xi32, #tpu.memory_space<vmem>>) offsets(%dma_start3A_66 : memref<128xi32, #tpu.memory_space<vmem>>) semaphore(%arg7 : memref<!tpu.dma_semaphore, #tpu.memory_space<semaphore_mem>>)
    %dma_wait3A_69 = arith.constant 3 : i32
    %dma_wait3A_70 = arith.constant 3 : i32
    %dma_wait3A_71 = arith.constant 0 : i32
    %dma_wait3A_72 = tpu.memref_slice %arg6[%dma_wait3A_70, %dma_wait3A_71] : memref<4x128xi32, #tpu.memory_space<vmem>> -> memref<1x128xi32, #tpu.memory_space<vmem>>
    %dma_wait3A_73 = tpu.memref_squeeze %dma_wait3A_72 : memref<1x128xi32, #tpu.memory_space<vmem>> -> memref<128xi32, #tpu.memory_space<vmem>>
    %dma_wait3A_74 = arith.constant 0 : i32
    %dma_wait3A_75 = tpu.memref_slice %arg5[%dma_wait3A_69, %dma_wait3A_74] : memref<4x128xi32, #tpu.memory_space<vmem>> -> memref<1x128xi32, #tpu.memory_space<vmem>>
    %dma_wait3A_76 = tpu.memref_squeeze %dma_wait3A_75 : memref<1x128xi32, #tpu.memory_space<vmem>> -> memref<128xi32, #tpu.memory_space<vmem>>
    %dma_wait3A_77 = arith.constant 0 : i32
    %dma_wait3A_78 = tpu.memref_slice %arg2[%dma_wait3A_77] : memref<100000xi32, #tpu.memory_space<hbm>> -> memref<100000xi32, #tpu.memory_space<hbm>>
    tpu.wait_indirect_dma semaphore(%arg7 : memref<!tpu.dma_semaphore, #tpu.memory_space<semaphore_mem>>) src(%dma_wait3A_78 : memref<100000xi32, #tpu.memory_space<hbm>>) dst(%dma_wait3A_73 : memref<128xi32, #tpu.memory_space<vmem>>)
    "tpu.region"() ({
      %run_scoped3A = tpu.sem_alloc : memref<!tpu.dma_semaphore, #tpu.memory_space<semaphore_mem>>
      %dma_start3A_79 = arith.constant 0 : i32
      %dma_start3A_80 = arith.constant 0 : i32
      %dma_start3A_81 = tpu.memref_slice %arg4[%add3A, %dma_start3A_79, %dma_start3A_80] : memref<32x4x128xi32, #tpu.memory_space<hbm>> -> memref<1x4x128xi32, #tpu.memory_space<hbm>>
      %dma_start3A_82 = tpu.memref_squeeze %dma_start3A_81 : memref<1x4x128xi32, #tpu.memory_space<hbm>> -> memref<4x128xi32, #tpu.memory_space<hbm>>
      %dma_start3A_83 = arith.constant 0 : i32
      %dma_start3A_84 = arith.constant 0 : i32
      %dma_start3A_85 = tpu.memref_slice %arg4[%add3A, %dma_start3A_83, %dma_start3A_84] : memref<32x4x128xi32, #tpu.memory_space<hbm>> -> memref<1x4x128xi32, #tpu.memory_space<hbm>>
      %dma_start3A_86 = tpu.memref_squeeze %dma_start3A_85 : memref<1x4x128xi32, #tpu.memory_space<hbm>> -> memref<4x128xi32, #tpu.memory_space<hbm>>
      tpu.enqueue_dma source(%arg6 : memref<4x128xi32, #tpu.memory_space<vmem>>) target(%dma_start3A_86 : memref<4x128xi32, #tpu.memory_space<hbm>>) target_semaphore(%run_scoped3A : memref<!tpu.dma_semaphore, #tpu.memory_space<semaphore_mem>>)
      %dma_wait3A_87 = arith.constant 0 : i32
      %dma_wait3A_88 = arith.constant 0 : i32
      %dma_wait3A_89 = tpu.memref_slice %arg4[%add3A, %dma_wait3A_87, %dma_wait3A_88] : memref<32x4x128xi32, #tpu.memory_space<hbm>> -> memref<1x4x128xi32, #tpu.memory_space<hbm>>
      %dma_wait3A_90 = tpu.memref_squeeze %dma_wait3A_89 : memref<1x4x128xi32, #tpu.memory_space<hbm>> -> memref<4x128xi32, #tpu.memory_space<hbm>>
      %dma_wait3A_91 = arith.constant 0 : i32
      %dma_wait3A_92 = arith.constant 0 : i32
      %dma_wait3A_93 = tpu.memref_slice %arg4[%add3A, %dma_wait3A_91, %dma_wait3A_92] : memref<32x4x128xi32, #tpu.memory_space<hbm>> -> memref<1x4x128xi32, #tpu.memory_space<hbm>>
      %dma_wait3A_94 = tpu.memref_squeeze %dma_wait3A_93 : memref<1x4x128xi32, #tpu.memory_space<hbm>> -> memref<4x128xi32, #tpu.memory_space<hbm>>
      tpu.wait_dma2 semaphore(%run_scoped3A : memref<!tpu.dma_semaphore, #tpu.memory_space<semaphore_mem>>) src(%arg6 : memref<4x128xi32, #tpu.memory_space<vmem>>) dst(%dma_wait3A_94 : memref<4x128xi32, #tpu.memory_space<hbm>>)
      tpu.yield
    }) : () -> ()
    return
  }
}

module attributes {stable_mosaic.version = 14 : i64} {
  func.func @_topk_body(%arg0: i32, %arg1: i32, %arg2: memref<512x64xf32, #tpu.memory_space<vmem>>, %arg3: memref<64x1024xf32, #tpu.memory_space<vmem>>, %arg4: memref<512x16xf32, #tpu.memory_space<vmem>>, %arg5: memref<512x16xi32, #tpu.memory_space<vmem>>, %arg6: memref<512x16xf32, #tpu.memory_space<vmem>>, %arg7: memref<512x16xi32, #tpu.memory_space<vmem>>, %arg8: memref<512x1024xf32, #tpu.memory_space<vmem>>, %arg9: memref<512x1xf32, #tpu.memory_space<vmem>>) attributes {dimension_semantics = [#tpu.dimension_semantics<parallel>, #tpu.dimension_semantics<arbitrary>], iteration_bounds = array<i64: 2, 98>, scalar_prefetch = 0 : i64, scratch_operands = 4 : i64, tpu.core_type = #tpu.core_type<tc>, window_params = [{transform_indices = @transform_0, window_bounds = array<i64: 512, 64>}, {transform_indices = @transform_1, window_bounds = array<i64: 64, 1024>}, {transform_indices = @transform_2, window_bounds = array<i64: 512, 16>}, {transform_indices = @transform_3, window_bounds = array<i64: 512, 16>}]} {
    %eq3A = arith.constant 0 : i32
    %eq3A_0 = arith.cmpi eq, %arg1, %eq3A : i32
    %convert_element_type3A = arith.extui %eq3A_0 : i1 to i32
    %cond3A = arith.constant 0 : i32
    %cond3A_1 = arith.cmpi ne, %convert_element_type3A, %cond3A : i32
    scf.if %cond3A_1 {
      %broadcast_in_dim3A_129 = arith.constant 0x7F800000 : f32
      %broadcast_in_dim3A_130 = vector.broadcast %broadcast_in_dim3A_129 : f32 to vector<512x16xf32>
      %swap3A_131 = arith.constant 0 : index
      %swap3A_132 = arith.constant 0 : index
      %swap3A_133 = vector.load %arg6[%swap3A_131, %swap3A_132] : memref<512x16xf32, #tpu.memory_space<vmem>>, vector<512x16xf32>
      tpu.vector_store %arg6[%swap3A_131, %swap3A_132], %broadcast_in_dim3A_130 {strides = array<i32>} : memref<512x16xf32, #tpu.memory_space<vmem>>, vector<512x16xf32>,
      %broadcast_in_dim3A_134 = arith.constant 0 : i32
      %broadcast_in_dim3A_135 = vector.broadcast %broadcast_in_dim3A_134 : i32 to vector<512x16xi32>
      %swap3A_136 = arith.constant 0 : index
      %swap3A_137 = arith.constant 0 : index
      %swap3A_138 = vector.load %arg7[%swap3A_136, %swap3A_137] : memref<512x16xi32, #tpu.memory_space<vmem>>, vector<512x16xi32>
      tpu.vector_store %arg7[%swap3A_136, %swap3A_137], %broadcast_in_dim3A_135 {strides = array<i32>} : memref<512x16xi32, #tpu.memory_space<vmem>>, vector<512x16xi32>,
      %get3A_139 = arith.constant 0 : index
      %get3A_140 = arith.constant 0 : index
      %get3A_141 = vector.load %arg2[%get3A_139, %get3A_140] : memref<512x64xf32, #tpu.memory_space<vmem>>, vector<512x64xf32>
      %mul3A_142 = arith.mulf %get3A_141, %get3A_141 : vector<512x64xf32>
      %reduce_sum3A_143 = arith.constant dense<0.000000e+00> : vector<512xf32>
      %reduce_sum3A_144 = vector.multi_reduction <add>, %mul3A_142, %reduce_sum3A_143 [1] : vector<512x64xf32> to vector<512xf32>
      %broadcast_in_dim3A_145 = vector.shape_cast %reduce_sum3A_144 : vector<512xf32> to vector<512x1xf32>
      %swap3A_146 = arith.constant 0 : index
      %swap3A_147 = arith.constant 0 : index
      %swap3A_148 = vector.load %arg9[%swap3A_146, %swap3A_147] : memref<512x1xf32, #tpu.memory_space<vmem>>, vector<512x1xf32>
      tpu.vector_store %arg9[%swap3A_146, %swap3A_147], %broadcast_in_dim3A_145 {strides = array<i32>} : memref<512x1xf32, #tpu.memory_space<vmem>>, vector<512x1xf32>,
    } else {
    }
    %get3A = arith.constant 0 : index
    %get3A_2 = arith.constant 0 : index
    %get3A_3 = vector.load %arg2[%get3A, %get3A_2] : memref<512x64xf32, #tpu.memory_space<vmem>>, vector<512x64xf32>
    %get3A_4 = arith.constant 0 : index
    %get3A_5 = arith.constant 0 : index
    %get3A_6 = vector.load %arg3[%get3A_4, %get3A_5] : memref<64x1024xf32, #tpu.memory_space<vmem>>, vector<64x1024xf32>
    %get3A_7 = arith.constant 0 : index
    %get3A_8 = arith.constant 0 : index
    %get3A_9 = vector.load %arg9[%get3A_7, %get3A_8] : memref<512x1xf32, #tpu.memory_space<vmem>>, vector<512x1xf32>
    %mul3A = arith.mulf %get3A_6, %get3A_6 : vector<64x1024xf32>
    %reduce_sum3A = arith.constant dense<0.000000e+00> : vector<1024xf32>
    %reduce_sum3A_10 = vector.multi_reduction <add>, %mul3A, %reduce_sum3A [0] : vector<64x1024xf32> to vector<1024xf32>
    %broadcast_in_dim3A = vector.shape_cast %reduce_sum3A_10 : vector<1024xf32> to vector<1x1024xf32>
    %dot_general3A = arith.constant dense<0.000000e+00> : vector<512x1024xf32>
    %dot_general3A_11 = tpu.matmul %get3A_3, %get3A_6, %dot_general3A {dimension_numbers = #tpu.dot_dimension_numbers<[1], [0], [0], [1], [0, 0, 1, 1], [], []>, transpose_lhs_hint = false} : vector<512x64xf32>, vector<64x1024xf32>, vector<512x1024xf32> -> vector<512x1024xf32>
    %add3A = vector.broadcast %get3A_9 : vector<512x1xf32> to vector<512x1024xf32>
    %add3A_12 = vector.broadcast %broadcast_in_dim3A : vector<1x1024xf32> to vector<512x1024xf32>
    %add3A_13 = arith.addf %add3A, %add3A_12 : vector<512x1024xf32>
    %mul3A_14 = arith.constant 2.000000e+00 : f32
    %mul3A_15 = vector.broadcast %mul3A_14 : f32 to vector<512x1024xf32>
    %mul3A_16 = arith.mulf %mul3A_15, %dot_general3A_11 : vector<512x1024xf32>
    %sub3A = arith.subf %add3A_13, %mul3A_16 : vector<512x1024xf32>
    %mul3A_17 = arith.constant 1024 : i32
    %mul3A_18 = arith.muli %arg1, %mul3A_17 : i32
    %convert_element_type3A_19 = arith.sitofp %mul3A_18 : i32 to f32
    %iota3A = tpu.iota {dimensions = array<i32: 1>} : vector<512x1024xi32>
    %convert_element_type3A_20 = arith.sitofp %iota3A : vector<512x1024xi32> to vector<512x1024xf32>
    %add3A_21 = vector.broadcast %convert_element_type3A_19 : f32 to vector<512x1024xf32>
    %add3A_22 = arith.addf %add3A_21, %convert_element_type3A_20 : vector<512x1024xf32>
    %max3A = arith.constant 9.99999996E-13 : f32
    %max3A_23 = vector.broadcast %max3A : f32 to vector<512x1024xf32>
    %max3A_24 = arith.maximumf %sub3A, %max3A_23 : vector<512x1024xf32>
    %sqrt3A = math.sqrt %max3A_24 : vector<512x1024xf32>
    %swap3A = arith.constant 0 : index
    %swap3A_25 = arith.constant 0 : index
    %swap3A_26 = vector.load %arg8[%swap3A, %swap3A_25] : memref<512x1024xf32, #tpu.memory_space<vmem>>, vector<512x1024xf32>
    tpu.vector_store %arg8[%swap3A, %swap3A_25], %sqrt3A {strides = array<i32>} : memref<512x1024xf32, #tpu.memory_space<vmem>>, vector<512x1024xf32>,
    %get3A_27 = arith.constant 0 : index
    %get3A_28 = arith.constant 0 : index
    %get3A_29 = vector.load %arg8[%get3A_27, %get3A_28] : memref<512x1024xf32, #tpu.memory_space<vmem>>, vector<512x1024xf32>
    %get3A_30 = arith.constant 0 : index
    %get3A_31 = arith.constant 0 : index
    %get3A_32 = vector.load %arg6[%get3A_30, %get3A_31] : memref<512x16xf32, #tpu.memory_space<vmem>>, vector<512x16xf32>
    %slice3A = vector.extract_strided_slice %get3A_32 {offsets = [0, 15], sizes = [512, 1], strides = [1, 1]} : vector<512x16xf32> to vector<512x1xf32>
    %lt3A = vector.broadcast %slice3A : vector<512x1xf32> to vector<512x1024xf32>
    %lt3A_33 = arith.cmpf olt, %get3A_29, %lt3A : vector<512x1024xf32>
    %jit3A = arith.constant 1.000000e+00 : f32
    %jit3A_34 = arith.constant 0.000000e+00 : f32
    %broadcast_in_dim3A_35 = vector.broadcast %jit3A : f32 to vector<512x1024xf32>
    %broadcast_in_dim3A_36 = vector.broadcast %jit3A_34 : f32 to vector<512x1024xf32>
    %select_n3A = arith.select %lt3A_33, %broadcast_in_dim3A_35, %broadcast_in_dim3A_36 : vector<512x1024xi1>, vector<512x1024xf32>
    %reduce_sum3A_37 = arith.constant dense<0.000000e+00> : vector<512xf32>
    %reduce_sum3A_38 = vector.multi_reduction <add>, %select_n3A, %reduce_sum3A_37 [1] : vector<512x1024xf32> to vector<512xf32>
    %reduce_max3A = vector.shape_cast %reduce_sum3A_38 : vector<512xf32> to vector<1x512xf32>
    %reduce_max3A_39 = arith.constant dense<0xFF800000> : vector<1xf32>
    %reduce_max3A_40 = vector.multi_reduction <maximumf>, %reduce_max3A, %reduce_max3A_39 [1] : vector<1x512xf32> to vector<1xf32>
    %reduce_max3A_41 = vector.shape_cast %reduce_max3A_40 : vector<1xf32> to vector<1x1xf32>
    %reduce_max3A_42 = vector.extract %reduce_max3A_41[0, 0] : f32 from vector<1x1xf32>
    %min3A = arith.constant 1.600000e+01 : f32
    %min3A_43 = arith.minimumf %reduce_max3A_42, %min3A : f32
    %iota3A_44 = tpu.iota {dimensions = array<i32: 1>} : vector<512x16xi32>
    %gt3A = arith.constant 0.000000e+00 : f32
    %gt3A_45 = arith.cmpf ogt, %min3A_43, %gt3A : f32
    %convert_element_type3A_46 = arith.extui %gt3A_45 : i1 to i32
    %cond3A_47 = arith.constant 0 : i32
    %cond3A_48 = arith.cmpi ne, %convert_element_type3A_46, %cond3A_47 : i32
    scf.if %cond3A_48 {
      %get3A_129 = arith.constant 0 : index
      %get3A_130 = arith.constant 0 : index
      %get3A_131 = vector.load %arg8[%get3A_129, %get3A_130] : memref<512x1024xf32, #tpu.memory_space<vmem>>, vector<512x1024xf32>
      %reduce_min3A = arith.constant dense<0x7F800000> : vector<512xf32>
      %reduce_min3A_132 = vector.multi_reduction <minimumf>, %get3A_131, %reduce_min3A [1] : vector<512x1024xf32> to vector<512xf32>
      %broadcast_in_dim3A_133 = vector.shape_cast %reduce_min3A_132 : vector<512xf32> to vector<512x1xf32>
      %eq3A_134 = vector.broadcast %broadcast_in_dim3A_133 : vector<512x1xf32> to vector<512x1024xf32>
      %eq3A_135 = arith.cmpf oeq, %get3A_131, %eq3A_134 : vector<512x1024xf32>
      %jit3A_136 = arith.constant 3.000000e+08 : f32
      %broadcast_in_dim3A_137 = vector.broadcast %jit3A_136 : f32 to vector<512x1024xf32>
      %select_n3A_138 = arith.select %eq3A_135, %add3A_22, %broadcast_in_dim3A_137 : vector<512x1024xi1>, vector<512x1024xf32>
      %reduce_min3A_139 = arith.constant dense<0x7F800000> : vector<512xf32>
      %reduce_min3A_140 = vector.multi_reduction <minimumf>, %select_n3A_138, %reduce_min3A_139 [1] : vector<512x1024xf32> to vector<512xf32>
      %broadcast_in_dim3A_141 = vector.shape_cast %reduce_min3A_140 : vector<512xf32> to vector<512x1xf32>
      %eq3A_142 = vector.broadcast %broadcast_in_dim3A_141 : vector<512x1xf32> to vector<512x1024xf32>
      %eq3A_143 = arith.cmpf oeq, %add3A_22, %eq3A_142 : vector<512x1024xf32>
      %jit3A_144 = arith.constant 0x7F800000 : f32
      %broadcast_in_dim3A_145 = vector.broadcast %jit3A_144 : f32 to vector<512x1024xf32>
      %select_n3A_146 = arith.select %eq3A_143, %broadcast_in_dim3A_145, %get3A_131 : vector<512x1024xi1>, vector<512x1024xf32>
      %swap3A_147 = arith.constant 0 : index
      %swap3A_148 = arith.constant 0 : index
      %swap3A_149 = vector.load %arg8[%swap3A_147, %swap3A_148] : memref<512x1024xf32, #tpu.memory_space<vmem>>, vector<512x1024xf32>
      tpu.vector_store %arg8[%swap3A_147, %swap3A_148], %select_n3A_146 {strides = array<i32>} : memref<512x1024xf32, #tpu.memory_space<vmem>>, vector<512x1024xf32>,
      %convert_element_type3A_150 = arith.fptosi %broadcast_in_dim3A_141 : vector<512x1xf32> to vector<512x1xi32>
      %get3A_151 = arith.constant 0 : index
      %get3A_152 = arith.constant 0 : index
      %get3A_153 = vector.load %arg6[%get3A_151, %get3A_152] : memref<512x16xf32, #tpu.memory_space<vmem>>, vector<512x16xf32>
      %get3A_154 = arith.constant 0 : index
      %get3A_155 = arith.constant 0 : index
      %get3A_156 = vector.load %arg7[%get3A_154, %get3A_155] : memref<512x16xi32, #tpu.memory_space<vmem>>, vector<512x16xi32>
      %le3A = vector.broadcast %broadcast_in_dim3A_133 : vector<512x1xf32> to vector<512x16xf32>
      %le3A_157 = arith.cmpf ole, %get3A_153, %le3A : vector<512x16xf32>
      %convert_element_type3A_158 = arith.extui %le3A_157 : vector<512x16xi1> to vector<512x16xi32>
      %reduce_sum3A_159 = arith.constant dense<0> : vector<512xi32>
      %reduce_sum3A_160 = vector.multi_reduction <add>, %convert_element_type3A_158, %reduce_sum3A_159 [1] : vector<512x16xi32> to vector<512xi32>
      %broadcast_in_dim3A_161 = vector.shape_cast %reduce_sum3A_160 : vector<512xi32> to vector<512x1xi32>
      %broadcast_in_dim3A_162 = arith.constant 0x7F800000 : f32
      %broadcast_in_dim3A_163 = vector.broadcast %broadcast_in_dim3A_162 : f32 to vector<512x1xf32>
      %slice3A_164 = vector.extract_strided_slice %get3A_153 {offsets = [0, 0], sizes = [512, 15], strides = [1, 1]} : vector<512x16xf32> to vector<512x15xf32>
      %concatenate3A = tpu.concatenate %broadcast_in_dim3A_163, %slice3A_164 in 1 : vector<512x1xf32>, vector<512x15xf32> -> vector<512x16xf32>
      %broadcast_in_dim3A_165 = arith.constant 0 : i32
      %broadcast_in_dim3A_166 = vector.broadcast %broadcast_in_dim3A_165 : i32 to vector<512x1xi32>
      %slice3A_167 = vector.extract_strided_slice %get3A_156 {offsets = [0, 0], sizes = [512, 15], strides = [1, 1]} : vector<512x16xi32> to vector<512x15xi32>
      %concatenate3A_168 = tpu.concatenate %broadcast_in_dim3A_166, %slice3A_167 in 1 : vector<512x1xi32>, vector<512x15xi32> -> vector<512x16xi32>
      %lt3A_169 = vector.broadcast %broadcast_in_dim3A_161 : vector<512x1xi32> to vector<512x16xi32>
      %lt3A_170 = arith.cmpi slt, %iota3A_44, %lt3A_169 : vector<512x16xi32>
      %eq3A_171 = vector.broadcast %broadcast_in_dim3A_161 : vector<512x1xi32> to vector<512x16xi32>
      %eq3A_172 = arith.cmpi eq, %iota3A_44, %eq3A_171 : vector<512x16xi32>
      %broadcast_in_dim3A_173 = vector.shape_cast %broadcast_in_dim3A_133 : vector<512x1xf32> to vector<512x1xf32>
      %broadcast_in_dim3A_174 = vector.broadcast %broadcast_in_dim3A_173 : vector<512x1xf32> to vector<512x16xf32>
      %select_n3A_175 = arith.select %eq3A_172, %broadcast_in_dim3A_174, %concatenate3A : vector<512x16xi1>, vector<512x16xf32>
      %select_n3A_176 = arith.select %lt3A_170, %get3A_153, %select_n3A_175 : vector<512x16xi1>, vector<512x16xf32>
      %swap3A_177 = arith.constant 0 : index
      %swap3A_178 = arith.constant 0 : index
      %swap3A_179 = vector.load %arg6[%swap3A_177, %swap3A_178] : memref<512x16xf32, #tpu.memory_space<vmem>>, vector<512x16xf32>
      tpu.vector_store %arg6[%swap3A_177, %swap3A_178], %select_n3A_176 {strides = array<i32>} : memref<512x16xf32, #tpu.memory_space<vmem>>, vector<512x16xf32>,
      %lt3A_180 = vector.broadcast %broadcast_in_dim3A_161 : vector<512x1xi32> to vector<512x16xi32>
      %lt3A_181 = arith.cmpi slt, %iota3A_44, %lt3A_180 : vector<512x16xi32>
      %eq3A_182 = vector.broadcast %broadcast_in_dim3A_161 : vector<512x1xi32> to vector<512x16xi32>
      %eq3A_183 = arith.cmpi eq, %iota3A_44, %eq3A_182 : vector<512x16xi32>
      %broadcast_in_dim3A_184 = vector.shape_cast %convert_element_type3A_150 : vector<512x1xi32> to vector<512x1xi32>
      %broadcast_in_dim3A_185 = vector.broadcast %broadcast_in_dim3A_184 : vector<512x1xi32> to vector<512x16xi32>
      %select_n3A_186 = arith.select %eq3A_183, %broadcast_in_dim3A_185, %concatenate3A_168 : vector<512x16xi1>, vector<512x16xi32>
      %select_n3A_187 = arith.select %lt3A_181, %get3A_156, %select_n3A_186 : vector<512x16xi1>, vector<512x16xi32>
      %swap3A_188 = arith.constant 0 : index
      %swap3A_189 = arith.constant 0 : index
      %swap3A_190 = vector.load %arg7[%swap3A_188, %swap3A_189] : memref<512x16xi32, #tpu.memory_space<vmem>>, vector<512x16xi32>
      tpu.vector_store %arg7[%swap3A_188, %swap3A_189], %select_n3A_187 {strides = array<i32>} : memref<512x16xi32, #tpu.memory_space<vmem>>, vector<512x16xi32>,
    } else {
    }
    %gt3A_49 = arith.constant 1.000000e+00 : f32
    %gt3A_50 = arith.cmpf ogt, %min3A_43, %gt3A_49 : f32
    %convert_element_type3A_51 = arith.extui %gt3A_50 : i1 to i32
    %cond3A_52 = arith.constant 0 : i32
    %cond3A_53 = arith.cmpi ne, %convert_element_type3A_51, %cond3A_52 : i32
    scf.if %cond3A_53 {
      %get3A_129 = arith.constant 0 : index
      %get3A_130 = arith.constant 0 : index
      %get3A_131 = vector.load %arg8[%get3A_129, %get3A_130] : memref<512x1024xf32, #tpu.memory_space<vmem>>, vector<512x1024xf32>
      %reduce_min3A = arith.constant dense<0x7F800000> : vector<512xf32>
      %reduce_min3A_132 = vector.multi_reduction <minimumf>, %get3A_131, %reduce_min3A [1] : vector<512x1024xf32> to vector<512xf32>
      %broadcast_in_dim3A_133 = vector.shape_cast %reduce_min3A_132 : vector<512xf32> to vector<512x1xf32>
      %eq3A_134 = vector.broadcast %broadcast_in_dim3A_133 : vector<512x1xf32> to vector<512x1024xf32>
      %eq3A_135 = arith.cmpf oeq, %get3A_131, %eq3A_134 : vector<512x1024xf32>
      %jit3A_136 = arith.constant 3.000000e+08 : f32
      %broadcast_in_dim3A_137 = vector.broadcast %jit3A_136 : f32 to vector<512x1024xf32>
      %select_n3A_138 = arith.select %eq3A_135, %add3A_22, %broadcast_in_dim3A_137 : vector<512x1024xi1>, vector<512x1024xf32>
      %reduce_min3A_139 = arith.constant dense<0x7F800000> : vector<512xf32>
      %reduce_min3A_140 = vector.multi_reduction <minimumf>, %select_n3A_138, %reduce_min3A_139 [1] : vector<512x1024xf32> to vector<512xf32>
      %broadcast_in_dim3A_141 = vector.shape_cast %reduce_min3A_140 : vector<512xf32> to vector<512x1xf32>
      %eq3A_142 = vector.broadcast %broadcast_in_dim3A_141 : vector<512x1xf32> to vector<512x1024xf32>
      %eq3A_143 = arith.cmpf oeq, %add3A_22, %eq3A_142 : vector<512x1024xf32>
      %jit3A_144 = arith.constant 0x7F800000 : f32
      %broadcast_in_dim3A_145 = vector.broadcast %jit3A_144 : f32 to vector<512x1024xf32>
      %select_n3A_146 = arith.select %eq3A_143, %broadcast_in_dim3A_145, %get3A_131 : vector<512x1024xi1>, vector<512x1024xf32>
      %swap3A_147 = arith.constant 0 : index
      %swap3A_148 = arith.constant 0 : index
      %swap3A_149 = vector.load %arg8[%swap3A_147, %swap3A_148] : memref<512x1024xf32, #tpu.memory_space<vmem>>, vector<512x1024xf32>
      tpu.vector_store %arg8[%swap3A_147, %swap3A_148], %select_n3A_146 {strides = array<i32>} : memref<512x1024xf32, #tpu.memory_space<vmem>>, vector<512x1024xf32>,
      %convert_element_type3A_150 = arith.fptosi %broadcast_in_dim3A_141 : vector<512x1xf32> to vector<512x1xi32>
      %get3A_151 = arith.constant 0 : index
      %get3A_152 = arith.constant 0 : index
      %get3A_153 = vector.load %arg6[%get3A_151, %get3A_152] : memref<512x16xf32, #tpu.memory_space<vmem>>, vector<512x16xf32>
      %get3A_154 = arith.constant 0 : index
      %get3A_155 = arith.constant 0 : index
      %get3A_156 = vector.load %arg7[%get3A_154, %get3A_155] : memref<512x16xi32, #tpu.memory_space<vmem>>, vector<512x16xi32>
      %le3A = vector.broadcast %broadcast_in_dim3A_133 : vector<512x1xf32> to vector<512x16xf32>
      %le3A_157 = arith.cmpf ole, %get3A_153, %le3A : vector<512x16xf32>
      %convert_element_type3A_158 = arith.extui %le3A_157 : vector<512x16xi1> to vector<512x16xi32>
      %reduce_sum3A_159 = arith.constant dense<0> : vector<512xi32>
      %reduce_sum3A_160 = vector.multi_reduction <add>, %convert_element_type3A_158, %reduce_sum3A_159 [1] : vector<512x16xi32> to vector<512xi32>
      %broadcast_in_dim3A_161 = vector.shape_cast %reduce_sum3A_160 : vector<512xi32> to vector<512x1xi32>
      %broadcast_in_dim3A_162 = arith.constant 0x7F800000 : f32
      %broadcast_in_dim3A_163 = vector.broadcast %broadcast_in_dim3A_162 : f32 to vector<512x1xf32>
      %slice3A_164 = vector.extract_strided_slice %get3A_153 {offsets = [0, 0], sizes = [512, 15], strides = [1, 1]} : vector<512x16xf32> to vector<512x15xf32>
      %concatenate3A = tpu.concatenate %broadcast_in_dim3A_163, %slice3A_164 in 1 : vector<512x1xf32>, vector<512x15xf32> -> vector<512x16xf32>
      %broadcast_in_dim3A_165 = arith.constant 0 : i32
      %broadcast_in_dim3A_166 = vector.broadcast %broadcast_in_dim3A_165 : i32 to vector<512x1xi32>
      %slice3A_167 = vector.extract_strided_slice %get3A_156 {offsets = [0, 0], sizes = [512, 15], strides = [1, 1]} : vector<512x16xi32> to vector<512x15xi32>
      %concatenate3A_168 = tpu.concatenate %broadcast_in_dim3A_166, %slice3A_167 in 1 : vector<512x1xi32>, vector<512x15xi32> -> vector<512x16xi32>
      %lt3A_169 = vector.broadcast %broadcast_in_dim3A_161 : vector<512x1xi32> to vector<512x16xi32>
      %lt3A_170 = arith.cmpi slt, %iota3A_44, %lt3A_169 : vector<512x16xi32>
      %eq3A_171 = vector.broadcast %broadcast_in_dim3A_161 : vector<512x1xi32> to vector<512x16xi32>
      %eq3A_172 = arith.cmpi eq, %iota3A_44, %eq3A_171 : vector<512x16xi32>
      %broadcast_in_dim3A_173 = vector.shape_cast %broadcast_in_dim3A_133 : vector<512x1xf32> to vector<512x1xf32>
      %broadcast_in_dim3A_174 = vector.broadcast %broadcast_in_dim3A_173 : vector<512x1xf32> to vector<512x16xf32>
      %select_n3A_175 = arith.select %eq3A_172, %broadcast_in_dim3A_174, %concatenate3A : vector<512x16xi1>, vector<512x16xf32>
      %select_n3A_176 = arith.select %lt3A_170, %get3A_153, %select_n3A_175 : vector<512x16xi1>, vector<512x16xf32>
      %swap3A_177 = arith.constant 0 : index
      %swap3A_178 = arith.constant 0 : index
      %swap3A_179 = vector.load %arg6[%swap3A_177, %swap3A_178] : memref<512x16xf32, #tpu.memory_space<vmem>>, vector<512x16xf32>
      tpu.vector_store %arg6[%swap3A_177, %swap3A_178], %select_n3A_176 {strides = array<i32>} : memref<512x16xf32, #tpu.memory_space<vmem>>, vector<512x16xf32>,
      %lt3A_180 = vector.broadcast %broadcast_in_dim3A_161 : vector<512x1xi32> to vector<512x16xi32>
      %lt3A_181 = arith.cmpi slt, %iota3A_44, %lt3A_180 : vector<512x16xi32>
      %eq3A_182 = vector.broadcast %broadcast_in_dim3A_161 : vector<512x1xi32> to vector<512x16xi32>
      %eq3A_183 = arith.cmpi eq, %iota3A_44, %eq3A_182 : vector<512x16xi32>
      %broadcast_in_dim3A_184 = vector.shape_cast %convert_element_type3A_150 : vector<512x1xi32> to vector<512x1xi32>
      %broadcast_in_dim3A_185 = vector.broadcast %broadcast_in_dim3A_184 : vector<512x1xi32> to vector<512x16xi32>
      %select_n3A_186 = arith.select %eq3A_183, %broadcast_in_dim3A_185, %concatenate3A_168 : vector<512x16xi1>, vector<512x16xi32>
      %select_n3A_187 = arith.select %lt3A_181, %get3A_156, %select_n3A_186 : vector<512x16xi1>, vector<512x16xi32>
      %swap3A_188 = arith.constant 0 : index
      %swap3A_189 = arith.constant 0 : index
      %swap3A_190 = vector.load %arg7[%swap3A_188, %swap3A_189] : memref<512x16xi32, #tpu.memory_space<vmem>>, vector<512x16xi32>
      tpu.vector_store %arg7[%swap3A_188, %swap3A_189], %select_n3A_187 {strides = array<i32>} : memref<512x16xi32, #tpu.memory_space<vmem>>, vector<512x16xi32>,
    } else {
    }
    %gt3A_54 = arith.constant 2.000000e+00 : f32
    %gt3A_55 = arith.cmpf ogt, %min3A_43, %gt3A_54 : f32
    %convert_element_type3A_56 = arith.extui %gt3A_55 : i1 to i32
    %cond3A_57 = arith.constant 0 : i32
    %cond3A_58 = arith.cmpi ne, %convert_element_type3A_56, %cond3A_57 : i32
    scf.if %cond3A_58 {
      %get3A_129 = arith.constant 0 : index
      %get3A_130 = arith.constant 0 : index
      %get3A_131 = vector.load %arg8[%get3A_129, %get3A_130] : memref<512x1024xf32, #tpu.memory_space<vmem>>, vector<512x1024xf32>
      %reduce_min3A = arith.constant dense<0x7F800000> : vector<512xf32>
      %reduce_min3A_132 = vector.multi_reduction <minimumf>, %get3A_131, %reduce_min3A [1] : vector<512x1024xf32> to vector<512xf32>
      %broadcast_in_dim3A_133 = vector.shape_cast %reduce_min3A_132 : vector<512xf32> to vector<512x1xf32>
      %eq3A_134 = vector.broadcast %broadcast_in_dim3A_133 : vector<512x1xf32> to vector<512x1024xf32>
      %eq3A_135 = arith.cmpf oeq, %get3A_131, %eq3A_134 : vector<512x1024xf32>
      %jit3A_136 = arith.constant 3.000000e+08 : f32
      %broadcast_in_dim3A_137 = vector.broadcast %jit3A_136 : f32 to vector<512x1024xf32>
      %select_n3A_138 = arith.select %eq3A_135, %add3A_22, %broadcast_in_dim3A_137 : vector<512x1024xi1>, vector<512x1024xf32>
      %reduce_min3A_139 = arith.constant dense<0x7F800000> : vector<512xf32>
      %reduce_min3A_140 = vector.multi_reduction <minimumf>, %select_n3A_138, %reduce_min3A_139 [1] : vector<512x1024xf32> to vector<512xf32>
      %broadcast_in_dim3A_141 = vector.shape_cast %reduce_min3A_140 : vector<512xf32> to vector<512x1xf32>
      %eq3A_142 = vector.broadcast %broadcast_in_dim3A_141 : vector<512x1xf32> to vector<512x1024xf32>
      %eq3A_143 = arith.cmpf oeq, %add3A_22, %eq3A_142 : vector<512x1024xf32>
      %jit3A_144 = arith.constant 0x7F800000 : f32
      %broadcast_in_dim3A_145 = vector.broadcast %jit3A_144 : f32 to vector<512x1024xf32>
      %select_n3A_146 = arith.select %eq3A_143, %broadcast_in_dim3A_145, %get3A_131 : vector<512x1024xi1>, vector<512x1024xf32>
      %swap3A_147 = arith.constant 0 : index
      %swap3A_148 = arith.constant 0 : index
      %swap3A_149 = vector.load %arg8[%swap3A_147, %swap3A_148] : memref<512x1024xf32, #tpu.memory_space<vmem>>, vector<512x1024xf32>
      tpu.vector_store %arg8[%swap3A_147, %swap3A_148], %select_n3A_146 {strides = array<i32>} : memref<512x1024xf32, #tpu.memory_space<vmem>>, vector<512x1024xf32>,
      %convert_element_type3A_150 = arith.fptosi %broadcast_in_dim3A_141 : vector<512x1xf32> to vector<512x1xi32>
      %get3A_151 = arith.constant 0 : index
      %get3A_152 = arith.constant 0 : index
      %get3A_153 = vector.load %arg6[%get3A_151, %get3A_152] : memref<512x16xf32, #tpu.memory_space<vmem>>, vector<512x16xf32>
      %get3A_154 = arith.constant 0 : index
      %get3A_155 = arith.constant 0 : index
      %get3A_156 = vector.load %arg7[%get3A_154, %get3A_155] : memref<512x16xi32, #tpu.memory_space<vmem>>, vector<512x16xi32>
      %le3A = vector.broadcast %broadcast_in_dim3A_133 : vector<512x1xf32> to vector<512x16xf32>
      %le3A_157 = arith.cmpf ole, %get3A_153, %le3A : vector<512x16xf32>
      %convert_element_type3A_158 = arith.extui %le3A_157 : vector<512x16xi1> to vector<512x16xi32>
      %reduce_sum3A_159 = arith.constant dense<0> : vector<512xi32>
      %reduce_sum3A_160 = vector.multi_reduction <add>, %convert_element_type3A_158, %reduce_sum3A_159 [1] : vector<512x16xi32> to vector<512xi32>
      %broadcast_in_dim3A_161 = vector.shape_cast %reduce_sum3A_160 : vector<512xi32> to vector<512x1xi32>
      %broadcast_in_dim3A_162 = arith.constant 0x7F800000 : f32
      %broadcast_in_dim3A_163 = vector.broadcast %broadcast_in_dim3A_162 : f32 to vector<512x1xf32>
      %slice3A_164 = vector.extract_strided_slice %get3A_153 {offsets = [0, 0], sizes = [512, 15], strides = [1, 1]} : vector<512x16xf32> to vector<512x15xf32>
      %concatenate3A = tpu.concatenate %broadcast_in_dim3A_163, %slice3A_164 in 1 : vector<512x1xf32>, vector<512x15xf32> -> vector<512x16xf32>
      %broadcast_in_dim3A_165 = arith.constant 0 : i32
      %broadcast_in_dim3A_166 = vector.broadcast %broadcast_in_dim3A_165 : i32 to vector<512x1xi32>
      %slice3A_167 = vector.extract_strided_slice %get3A_156 {offsets = [0, 0], sizes = [512, 15], strides = [1, 1]} : vector<512x16xi32> to vector<512x15xi32>
      %concatenate3A_168 = tpu.concatenate %broadcast_in_dim3A_166, %slice3A_167 in 1 : vector<512x1xi32>, vector<512x15xi32> -> vector<512x16xi32>
      %lt3A_169 = vector.broadcast %broadcast_in_dim3A_161 : vector<512x1xi32> to vector<512x16xi32>
      %lt3A_170 = arith.cmpi slt, %iota3A_44, %lt3A_169 : vector<512x16xi32>
      %eq3A_171 = vector.broadcast %broadcast_in_dim3A_161 : vector<512x1xi32> to vector<512x16xi32>
      %eq3A_172 = arith.cmpi eq, %iota3A_44, %eq3A_171 : vector<512x16xi32>
      %broadcast_in_dim3A_173 = vector.shape_cast %broadcast_in_dim3A_133 : vector<512x1xf32> to vector<512x1xf32>
      %broadcast_in_dim3A_174 = vector.broadcast %broadcast_in_dim3A_173 : vector<512x1xf32> to vector<512x16xf32>
      %select_n3A_175 = arith.select %eq3A_172, %broadcast_in_dim3A_174, %concatenate3A : vector<512x16xi1>, vector<512x16xf32>
      %select_n3A_176 = arith.select %lt3A_170, %get3A_153, %select_n3A_175 : vector<512x16xi1>, vector<512x16xf32>
      %swap3A_177 = arith.constant 0 : index
      %swap3A_178 = arith.constant 0 : index
      %swap3A_179 = vector.load %arg6[%swap3A_177, %swap3A_178] : memref<512x16xf32, #tpu.memory_space<vmem>>, vector<512x16xf32>
      tpu.vector_store %arg6[%swap3A_177, %swap3A_178], %select_n3A_176 {strides = array<i32>} : memref<512x16xf32, #tpu.memory_space<vmem>>, vector<512x16xf32>,
      %lt3A_180 = vector.broadcast %broadcast_in_dim3A_161 : vector<512x1xi32> to vector<512x16xi32>
      %lt3A_181 = arith.cmpi slt, %iota3A_44, %lt3A_180 : vector<512x16xi32>
      %eq3A_182 = vector.broadcast %broadcast_in_dim3A_161 : vector<512x1xi32> to vector<512x16xi32>
      %eq3A_183 = arith.cmpi eq, %iota3A_44, %eq3A_182 : vector<512x16xi32>
      %broadcast_in_dim3A_184 = vector.shape_cast %convert_element_type3A_150 : vector<512x1xi32> to vector<512x1xi32>
      %broadcast_in_dim3A_185 = vector.broadcast %broadcast_in_dim3A_184 : vector<512x1xi32> to vector<512x16xi32>
      %select_n3A_186 = arith.select %eq3A_183, %broadcast_in_dim3A_185, %concatenate3A_168 : vector<512x16xi1>, vector<512x16xi32>
      %select_n3A_187 = arith.select %lt3A_181, %get3A_156, %select_n3A_186 : vector<512x16xi1>, vector<512x16xi32>
      %swap3A_188 = arith.constant 0 : index
      %swap3A_189 = arith.constant 0 : index
      %swap3A_190 = vector.load %arg7[%swap3A_188, %swap3A_189] : memref<512x16xi32, #tpu.memory_space<vmem>>, vector<512x16xi32>
      tpu.vector_store %arg7[%swap3A_188, %swap3A_189], %select_n3A_187 {strides = array<i32>} : memref<512x16xi32, #tpu.memory_space<vmem>>, vector<512x16xi32>,
    } else {
    }
    %gt3A_59 = arith.constant 3.000000e+00 : f32
    %gt3A_60 = arith.cmpf ogt, %min3A_43, %gt3A_59 : f32
    %convert_element_type3A_61 = arith.extui %gt3A_60 : i1 to i32
    %cond3A_62 = arith.constant 0 : i32
    %cond3A_63 = arith.cmpi ne, %convert_element_type3A_61, %cond3A_62 : i32
    scf.if %cond3A_63 {
      %get3A_129 = arith.constant 0 : index
      %get3A_130 = arith.constant 0 : index
      %get3A_131 = vector.load %arg8[%get3A_129, %get3A_130] : memref<512x1024xf32, #tpu.memory_space<vmem>>, vector<512x1024xf32>
      %reduce_min3A = arith.constant dense<0x7F800000> : vector<512xf32>
      %reduce_min3A_132 = vector.multi_reduction <minimumf>, %get3A_131, %reduce_min3A [1] : vector<512x1024xf32> to vector<512xf32>
      %broadcast_in_dim3A_133 = vector.shape_cast %reduce_min3A_132 : vector<512xf32> to vector<512x1xf32>
      %eq3A_134 = vector.broadcast %broadcast_in_dim3A_133 : vector<512x1xf32> to vector<512x1024xf32>
      %eq3A_135 = arith.cmpf oeq, %get3A_131, %eq3A_134 : vector<512x1024xf32>
      %jit3A_136 = arith.constant 3.000000e+08 : f32
      %broadcast_in_dim3A_137 = vector.broadcast %jit3A_136 : f32 to vector<512x1024xf32>
      %select_n3A_138 = arith.select %eq3A_135, %add3A_22, %broadcast_in_dim3A_137 : vector<512x1024xi1>, vector<512x1024xf32>
      %reduce_min3A_139 = arith.constant dense<0x7F800000> : vector<512xf32>
      %reduce_min3A_140 = vector.multi_reduction <minimumf>, %select_n3A_138, %reduce_min3A_139 [1] : vector<512x1024xf32> to vector<512xf32>
      %broadcast_in_dim3A_141 = vector.shape_cast %reduce_min3A_140 : vector<512xf32> to vector<512x1xf32>
      %eq3A_142 = vector.broadcast %broadcast_in_dim3A_141 : vector<512x1xf32> to vector<512x1024xf32>
      %eq3A_143 = arith.cmpf oeq, %add3A_22, %eq3A_142 : vector<512x1024xf32>
      %jit3A_144 = arith.constant 0x7F800000 : f32
      %broadcast_in_dim3A_145 = vector.broadcast %jit3A_144 : f32 to vector<512x1024xf32>
      %select_n3A_146 = arith.select %eq3A_143, %broadcast_in_dim3A_145, %get3A_131 : vector<512x1024xi1>, vector<512x1024xf32>
      %swap3A_147 = arith.constant 0 : index
      %swap3A_148 = arith.constant 0 : index
      %swap3A_149 = vector.load %arg8[%swap3A_147, %swap3A_148] : memref<512x1024xf32, #tpu.memory_space<vmem>>, vector<512x1024xf32>
      tpu.vector_store %arg8[%swap3A_147, %swap3A_148], %select_n3A_146 {strides = array<i32>} : memref<512x1024xf32, #tpu.memory_space<vmem>>, vector<512x1024xf32>,
      %convert_element_type3A_150 = arith.fptosi %broadcast_in_dim3A_141 : vector<512x1xf32> to vector<512x1xi32>
      %get3A_151 = arith.constant 0 : index
      %get3A_152 = arith.constant 0 : index
      %get3A_153 = vector.load %arg6[%get3A_151, %get3A_152] : memref<512x16xf32, #tpu.memory_space<vmem>>, vector<512x16xf32>
      %get3A_154 = arith.constant 0 : index
      %get3A_155 = arith.constant 0 : index
      %get3A_156 = vector.load %arg7[%get3A_154, %get3A_155] : memref<512x16xi32, #tpu.memory_space<vmem>>, vector<512x16xi32>
      %le3A = vector.broadcast %broadcast_in_dim3A_133 : vector<512x1xf32> to vector<512x16xf32>
      %le3A_157 = arith.cmpf ole, %get3A_153, %le3A : vector<512x16xf32>
      %convert_element_type3A_158 = arith.extui %le3A_157 : vector<512x16xi1> to vector<512x16xi32>
      %reduce_sum3A_159 = arith.constant dense<0> : vector<512xi32>
      %reduce_sum3A_160 = vector.multi_reduction <add>, %convert_element_type3A_158, %reduce_sum3A_159 [1] : vector<512x16xi32> to vector<512xi32>
      %broadcast_in_dim3A_161 = vector.shape_cast %reduce_sum3A_160 : vector<512xi32> to vector<512x1xi32>
      %broadcast_in_dim3A_162 = arith.constant 0x7F800000 : f32
      %broadcast_in_dim3A_163 = vector.broadcast %broadcast_in_dim3A_162 : f32 to vector<512x1xf32>
      %slice3A_164 = vector.extract_strided_slice %get3A_153 {offsets = [0, 0], sizes = [512, 15], strides = [1, 1]} : vector<512x16xf32> to vector<512x15xf32>
      %concatenate3A = tpu.concatenate %broadcast_in_dim3A_163, %slice3A_164 in 1 : vector<512x1xf32>, vector<512x15xf32> -> vector<512x16xf32>
      %broadcast_in_dim3A_165 = arith.constant 0 : i32
      %broadcast_in_dim3A_166 = vector.broadcast %broadcast_in_dim3A_165 : i32 to vector<512x1xi32>
      %slice3A_167 = vector.extract_strided_slice %get3A_156 {offsets = [0, 0], sizes = [512, 15], strides = [1, 1]} : vector<512x16xi32> to vector<512x15xi32>
      %concatenate3A_168 = tpu.concatenate %broadcast_in_dim3A_166, %slice3A_167 in 1 : vector<512x1xi32>, vector<512x15xi32> -> vector<512x16xi32>
      %lt3A_169 = vector.broadcast %broadcast_in_dim3A_161 : vector<512x1xi32> to vector<512x16xi32>
      %lt3A_170 = arith.cmpi slt, %iota3A_44, %lt3A_169 : vector<512x16xi32>
      %eq3A_171 = vector.broadcast %broadcast_in_dim3A_161 : vector<512x1xi32> to vector<512x16xi32>
      %eq3A_172 = arith.cmpi eq, %iota3A_44, %eq3A_171 : vector<512x16xi32>
      %broadcast_in_dim3A_173 = vector.shape_cast %broadcast_in_dim3A_133 : vector<512x1xf32> to vector<512x1xf32>
      %broadcast_in_dim3A_174 = vector.broadcast %broadcast_in_dim3A_173 : vector<512x1xf32> to vector<512x16xf32>
      %select_n3A_175 = arith.select %eq3A_172, %broadcast_in_dim3A_174, %concatenate3A : vector<512x16xi1>, vector<512x16xf32>
      %select_n3A_176 = arith.select %lt3A_170, %get3A_153, %select_n3A_175 : vector<512x16xi1>, vector<512x16xf32>
      %swap3A_177 = arith.constant 0 : index
      %swap3A_178 = arith.constant 0 : index
      %swap3A_179 = vector.load %arg6[%swap3A_177, %swap3A_178] : memref<512x16xf32, #tpu.memory_space<vmem>>, vector<512x16xf32>
      tpu.vector_store %arg6[%swap3A_177, %swap3A_178], %select_n3A_176 {strides = array<i32>} : memref<512x16xf32, #tpu.memory_space<vmem>>, vector<512x16xf32>,
      %lt3A_180 = vector.broadcast %broadcast_in_dim3A_161 : vector<512x1xi32> to vector<512x16xi32>
      %lt3A_181 = arith.cmpi slt, %iota3A_44, %lt3A_180 : vector<512x16xi32>
      %eq3A_182 = vector.broadcast %broadcast_in_dim3A_161 : vector<512x1xi32> to vector<512x16xi32>
      %eq3A_183 = arith.cmpi eq, %iota3A_44, %eq3A_182 : vector<512x16xi32>
      %broadcast_in_dim3A_184 = vector.shape_cast %convert_element_type3A_150 : vector<512x1xi32> to vector<512x1xi32>
      %broadcast_in_dim3A_185 = vector.broadcast %broadcast_in_dim3A_184 : vector<512x1xi32> to vector<512x16xi32>
      %select_n3A_186 = arith.select %eq3A_183, %broadcast_in_dim3A_185, %concatenate3A_168 : vector<512x16xi1>, vector<512x16xi32>
      %select_n3A_187 = arith.select %lt3A_181, %get3A_156, %select_n3A_186 : vector<512x16xi1>, vector<512x16xi32>
      %swap3A_188 = arith.constant 0 : index
      %swap3A_189 = arith.constant 0 : index
      %swap3A_190 = vector.load %arg7[%swap3A_188, %swap3A_189] : memref<512x16xi32, #tpu.memory_space<vmem>>, vector<512x16xi32>
      tpu.vector_store %arg7[%swap3A_188, %swap3A_189], %select_n3A_187 {strides = array<i32>} : memref<512x16xi32, #tpu.memory_space<vmem>>, vector<512x16xi32>,
    } else {
    }
    %gt3A_64 = arith.constant 4.000000e+00 : f32
    %gt3A_65 = arith.cmpf ogt, %min3A_43, %gt3A_64 : f32
    %convert_element_type3A_66 = arith.extui %gt3A_65 : i1 to i32
    %cond3A_67 = arith.constant 0 : i32
    %cond3A_68 = arith.cmpi ne, %convert_element_type3A_66, %cond3A_67 : i32
    scf.if %cond3A_68 {
      %get3A_129 = arith.constant 0 : index
      %get3A_130 = arith.constant 0 : index
      %get3A_131 = vector.load %arg8[%get3A_129, %get3A_130] : memref<512x1024xf32, #tpu.memory_space<vmem>>, vector<512x1024xf32>
      %reduce_min3A = arith.constant dense<0x7F800000> : vector<512xf32>
      %reduce_min3A_132 = vector.multi_reduction <minimumf>, %get3A_131, %reduce_min3A [1] : vector<512x1024xf32> to vector<512xf32>
      %broadcast_in_dim3A_133 = vector.shape_cast %reduce_min3A_132 : vector<512xf32> to vector<512x1xf32>
      %eq3A_134 = vector.broadcast %broadcast_in_dim3A_133 : vector<512x1xf32> to vector<512x1024xf32>
      %eq3A_135 = arith.cmpf oeq, %get3A_131, %eq3A_134 : vector<512x1024xf32>
      %jit3A_136 = arith.constant 3.000000e+08 : f32
      %broadcast_in_dim3A_137 = vector.broadcast %jit3A_136 : f32 to vector<512x1024xf32>
      %select_n3A_138 = arith.select %eq3A_135, %add3A_22, %broadcast_in_dim3A_137 : vector<512x1024xi1>, vector<512x1024xf32>
      %reduce_min3A_139 = arith.constant dense<0x7F800000> : vector<512xf32>
      %reduce_min3A_140 = vector.multi_reduction <minimumf>, %select_n3A_138, %reduce_min3A_139 [1] : vector<512x1024xf32> to vector<512xf32>
      %broadcast_in_dim3A_141 = vector.shape_cast %reduce_min3A_140 : vector<512xf32> to vector<512x1xf32>
      %eq3A_142 = vector.broadcast %broadcast_in_dim3A_141 : vector<512x1xf32> to vector<512x1024xf32>
      %eq3A_143 = arith.cmpf oeq, %add3A_22, %eq3A_142 : vector<512x1024xf32>
      %jit3A_144 = arith.constant 0x7F800000 : f32
      %broadcast_in_dim3A_145 = vector.broadcast %jit3A_144 : f32 to vector<512x1024xf32>
      %select_n3A_146 = arith.select %eq3A_143, %broadcast_in_dim3A_145, %get3A_131 : vector<512x1024xi1>, vector<512x1024xf32>
      %swap3A_147 = arith.constant 0 : index
      %swap3A_148 = arith.constant 0 : index
      %swap3A_149 = vector.load %arg8[%swap3A_147, %swap3A_148] : memref<512x1024xf32, #tpu.memory_space<vmem>>, vector<512x1024xf32>
      tpu.vector_store %arg8[%swap3A_147, %swap3A_148], %select_n3A_146 {strides = array<i32>} : memref<512x1024xf32, #tpu.memory_space<vmem>>, vector<512x1024xf32>,
      %convert_element_type3A_150 = arith.fptosi %broadcast_in_dim3A_141 : vector<512x1xf32> to vector<512x1xi32>
      %get3A_151 = arith.constant 0 : index
      %get3A_152 = arith.constant 0 : index
      %get3A_153 = vector.load %arg6[%get3A_151, %get3A_152] : memref<512x16xf32, #tpu.memory_space<vmem>>, vector<512x16xf32>
      %get3A_154 = arith.constant 0 : index
      %get3A_155 = arith.constant 0 : index
      %get3A_156 = vector.load %arg7[%get3A_154, %get3A_155] : memref<512x16xi32, #tpu.memory_space<vmem>>, vector<512x16xi32>
      %le3A = vector.broadcast %broadcast_in_dim3A_133 : vector<512x1xf32> to vector<512x16xf32>
      %le3A_157 = arith.cmpf ole, %get3A_153, %le3A : vector<512x16xf32>
      %convert_element_type3A_158 = arith.extui %le3A_157 : vector<512x16xi1> to vector<512x16xi32>
      %reduce_sum3A_159 = arith.constant dense<0> : vector<512xi32>
      %reduce_sum3A_160 = vector.multi_reduction <add>, %convert_element_type3A_158, %reduce_sum3A_159 [1] : vector<512x16xi32> to vector<512xi32>
      %broadcast_in_dim3A_161 = vector.shape_cast %reduce_sum3A_160 : vector<512xi32> to vector<512x1xi32>
      %broadcast_in_dim3A_162 = arith.constant 0x7F800000 : f32
      %broadcast_in_dim3A_163 = vector.broadcast %broadcast_in_dim3A_162 : f32 to vector<512x1xf32>
      %slice3A_164 = vector.extract_strided_slice %get3A_153 {offsets = [0, 0], sizes = [512, 15], strides = [1, 1]} : vector<512x16xf32> to vector<512x15xf32>
      %concatenate3A = tpu.concatenate %broadcast_in_dim3A_163, %slice3A_164 in 1 : vector<512x1xf32>, vector<512x15xf32> -> vector<512x16xf32>
      %broadcast_in_dim3A_165 = arith.constant 0 : i32
      %broadcast_in_dim3A_166 = vector.broadcast %broadcast_in_dim3A_165 : i32 to vector<512x1xi32>
      %slice3A_167 = vector.extract_strided_slice %get3A_156 {offsets = [0, 0], sizes = [512, 15], strides = [1, 1]} : vector<512x16xi32> to vector<512x15xi32>
      %concatenate3A_168 = tpu.concatenate %broadcast_in_dim3A_166, %slice3A_167 in 1 : vector<512x1xi32>, vector<512x15xi32> -> vector<512x16xi32>
      %lt3A_169 = vector.broadcast %broadcast_in_dim3A_161 : vector<512x1xi32> to vector<512x16xi32>
      %lt3A_170 = arith.cmpi slt, %iota3A_44, %lt3A_169 : vector<512x16xi32>
      %eq3A_171 = vector.broadcast %broadcast_in_dim3A_161 : vector<512x1xi32> to vector<512x16xi32>
      %eq3A_172 = arith.cmpi eq, %iota3A_44, %eq3A_171 : vector<512x16xi32>
      %broadcast_in_dim3A_173 = vector.shape_cast %broadcast_in_dim3A_133 : vector<512x1xf32> to vector<512x1xf32>
      %broadcast_in_dim3A_174 = vector.broadcast %broadcast_in_dim3A_173 : vector<512x1xf32> to vector<512x16xf32>
      %select_n3A_175 = arith.select %eq3A_172, %broadcast_in_dim3A_174, %concatenate3A : vector<512x16xi1>, vector<512x16xf32>
      %select_n3A_176 = arith.select %lt3A_170, %get3A_153, %select_n3A_175 : vector<512x16xi1>, vector<512x16xf32>
      %swap3A_177 = arith.constant 0 : index
      %swap3A_178 = arith.constant 0 : index
      %swap3A_179 = vector.load %arg6[%swap3A_177, %swap3A_178] : memref<512x16xf32, #tpu.memory_space<vmem>>, vector<512x16xf32>
      tpu.vector_store %arg6[%swap3A_177, %swap3A_178], %select_n3A_176 {strides = array<i32>} : memref<512x16xf32, #tpu.memory_space<vmem>>, vector<512x16xf32>,
      %lt3A_180 = vector.broadcast %broadcast_in_dim3A_161 : vector<512x1xi32> to vector<512x16xi32>
      %lt3A_181 = arith.cmpi slt, %iota3A_44, %lt3A_180 : vector<512x16xi32>
      %eq3A_182 = vector.broadcast %broadcast_in_dim3A_161 : vector<512x1xi32> to vector<512x16xi32>
      %eq3A_183 = arith.cmpi eq, %iota3A_44, %eq3A_182 : vector<512x16xi32>
      %broadcast_in_dim3A_184 = vector.shape_cast %convert_element_type3A_150 : vector<512x1xi32> to vector<512x1xi32>
      %broadcast_in_dim3A_185 = vector.broadcast %broadcast_in_dim3A_184 : vector<512x1xi32> to vector<512x16xi32>
      %select_n3A_186 = arith.select %eq3A_183, %broadcast_in_dim3A_185, %concatenate3A_168 : vector<512x16xi1>, vector<512x16xi32>
      %select_n3A_187 = arith.select %lt3A_181, %get3A_156, %select_n3A_186 : vector<512x16xi1>, vector<512x16xi32>
      %swap3A_188 = arith.constant 0 : index
      %swap3A_189 = arith.constant 0 : index
      %swap3A_190 = vector.load %arg7[%swap3A_188, %swap3A_189] : memref<512x16xi32, #tpu.memory_space<vmem>>, vector<512x16xi32>
      tpu.vector_store %arg7[%swap3A_188, %swap3A_189], %select_n3A_187 {strides = array<i32>} : memref<512x16xi32, #tpu.memory_space<vmem>>, vector<512x16xi32>,
    } else {
    }
    %gt3A_69 = arith.constant 5.000000e+00 : f32
    %gt3A_70 = arith.cmpf ogt, %min3A_43, %gt3A_69 : f32
    %convert_element_type3A_71 = arith.extui %gt3A_70 : i1 to i32
    %cond3A_72 = arith.constant 0 : i32
    %cond3A_73 = arith.cmpi ne, %convert_element_type3A_71, %cond3A_72 : i32
    scf.if %cond3A_73 {
      %get3A_129 = arith.constant 0 : index
      %get3A_130 = arith.constant 0 : index
      %get3A_131 = vector.load %arg8[%get3A_129, %get3A_130] : memref<512x1024xf32, #tpu.memory_space<vmem>>, vector<512x1024xf32>
      %reduce_min3A = arith.constant dense<0x7F800000> : vector<512xf32>
      %reduce_min3A_132 = vector.multi_reduction <minimumf>, %get3A_131, %reduce_min3A [1] : vector<512x1024xf32> to vector<512xf32>
      %broadcast_in_dim3A_133 = vector.shape_cast %reduce_min3A_132 : vector<512xf32> to vector<512x1xf32>
      %eq3A_134 = vector.broadcast %broadcast_in_dim3A_133 : vector<512x1xf32> to vector<512x1024xf32>
      %eq3A_135 = arith.cmpf oeq, %get3A_131, %eq3A_134 : vector<512x1024xf32>
      %jit3A_136 = arith.constant 3.000000e+08 : f32
      %broadcast_in_dim3A_137 = vector.broadcast %jit3A_136 : f32 to vector<512x1024xf32>
      %select_n3A_138 = arith.select %eq3A_135, %add3A_22, %broadcast_in_dim3A_137 : vector<512x1024xi1>, vector<512x1024xf32>
      %reduce_min3A_139 = arith.constant dense<0x7F800000> : vector<512xf32>
      %reduce_min3A_140 = vector.multi_reduction <minimumf>, %select_n3A_138, %reduce_min3A_139 [1] : vector<512x1024xf32> to vector<512xf32>
      %broadcast_in_dim3A_141 = vector.shape_cast %reduce_min3A_140 : vector<512xf32> to vector<512x1xf32>
      %eq3A_142 = vector.broadcast %broadcast_in_dim3A_141 : vector<512x1xf32> to vector<512x1024xf32>
      %eq3A_143 = arith.cmpf oeq, %add3A_22, %eq3A_142 : vector<512x1024xf32>
      %jit3A_144 = arith.constant 0x7F800000 : f32
      %broadcast_in_dim3A_145 = vector.broadcast %jit3A_144 : f32 to vector<512x1024xf32>
      %select_n3A_146 = arith.select %eq3A_143, %broadcast_in_dim3A_145, %get3A_131 : vector<512x1024xi1>, vector<512x1024xf32>
      %swap3A_147 = arith.constant 0 : index
      %swap3A_148 = arith.constant 0 : index
      %swap3A_149 = vector.load %arg8[%swap3A_147, %swap3A_148] : memref<512x1024xf32, #tpu.memory_space<vmem>>, vector<512x1024xf32>
      tpu.vector_store %arg8[%swap3A_147, %swap3A_148], %select_n3A_146 {strides = array<i32>} : memref<512x1024xf32, #tpu.memory_space<vmem>>, vector<512x1024xf32>,
      %convert_element_type3A_150 = arith.fptosi %broadcast_in_dim3A_141 : vector<512x1xf32> to vector<512x1xi32>
      %get3A_151 = arith.constant 0 : index
      %get3A_152 = arith.constant 0 : index
      %get3A_153 = vector.load %arg6[%get3A_151, %get3A_152] : memref<512x16xf32, #tpu.memory_space<vmem>>, vector<512x16xf32>
      %get3A_154 = arith.constant 0 : index
      %get3A_155 = arith.constant 0 : index
      %get3A_156 = vector.load %arg7[%get3A_154, %get3A_155] : memref<512x16xi32, #tpu.memory_space<vmem>>, vector<512x16xi32>
      %le3A = vector.broadcast %broadcast_in_dim3A_133 : vector<512x1xf32> to vector<512x16xf32>
      %le3A_157 = arith.cmpf ole, %get3A_153, %le3A : vector<512x16xf32>
      %convert_element_type3A_158 = arith.extui %le3A_157 : vector<512x16xi1> to vector<512x16xi32>
      %reduce_sum3A_159 = arith.constant dense<0> : vector<512xi32>
      %reduce_sum3A_160 = vector.multi_reduction <add>, %convert_element_type3A_158, %reduce_sum3A_159 [1] : vector<512x16xi32> to vector<512xi32>
      %broadcast_in_dim3A_161 = vector.shape_cast %reduce_sum3A_160 : vector<512xi32> to vector<512x1xi32>
      %broadcast_in_dim3A_162 = arith.constant 0x7F800000 : f32
      %broadcast_in_dim3A_163 = vector.broadcast %broadcast_in_dim3A_162 : f32 to vector<512x1xf32>
      %slice3A_164 = vector.extract_strided_slice %get3A_153 {offsets = [0, 0], sizes = [512, 15], strides = [1, 1]} : vector<512x16xf32> to vector<512x15xf32>
      %concatenate3A = tpu.concatenate %broadcast_in_dim3A_163, %slice3A_164 in 1 : vector<512x1xf32>, vector<512x15xf32> -> vector<512x16xf32>
      %broadcast_in_dim3A_165 = arith.constant 0 : i32
      %broadcast_in_dim3A_166 = vector.broadcast %broadcast_in_dim3A_165 : i32 to vector<512x1xi32>
      %slice3A_167 = vector.extract_strided_slice %get3A_156 {offsets = [0, 0], sizes = [512, 15], strides = [1, 1]} : vector<512x16xi32> to vector<512x15xi32>
      %concatenate3A_168 = tpu.concatenate %broadcast_in_dim3A_166, %slice3A_167 in 1 : vector<512x1xi32>, vector<512x15xi32> -> vector<512x16xi32>
      %lt3A_169 = vector.broadcast %broadcast_in_dim3A_161 : vector<512x1xi32> to vector<512x16xi32>
      %lt3A_170 = arith.cmpi slt, %iota3A_44, %lt3A_169 : vector<512x16xi32>
      %eq3A_171 = vector.broadcast %broadcast_in_dim3A_161 : vector<512x1xi32> to vector<512x16xi32>
      %eq3A_172 = arith.cmpi eq, %iota3A_44, %eq3A_171 : vector<512x16xi32>
      %broadcast_in_dim3A_173 = vector.shape_cast %broadcast_in_dim3A_133 : vector<512x1xf32> to vector<512x1xf32>
      %broadcast_in_dim3A_174 = vector.broadcast %broadcast_in_dim3A_173 : vector<512x1xf32> to vector<512x16xf32>
      %select_n3A_175 = arith.select %eq3A_172, %broadcast_in_dim3A_174, %concatenate3A : vector<512x16xi1>, vector<512x16xf32>
      %select_n3A_176 = arith.select %lt3A_170, %get3A_153, %select_n3A_175 : vector<512x16xi1>, vector<512x16xf32>
      %swap3A_177 = arith.constant 0 : index
      %swap3A_178 = arith.constant 0 : index
      %swap3A_179 = vector.load %arg6[%swap3A_177, %swap3A_178] : memref<512x16xf32, #tpu.memory_space<vmem>>, vector<512x16xf32>
      tpu.vector_store %arg6[%swap3A_177, %swap3A_178], %select_n3A_176 {strides = array<i32>} : memref<512x16xf32, #tpu.memory_space<vmem>>, vector<512x16xf32>,
      %lt3A_180 = vector.broadcast %broadcast_in_dim3A_161 : vector<512x1xi32> to vector<512x16xi32>
      %lt3A_181 = arith.cmpi slt, %iota3A_44, %lt3A_180 : vector<512x16xi32>
      %eq3A_182 = vector.broadcast %broadcast_in_dim3A_161 : vector<512x1xi32> to vector<512x16xi32>
      %eq3A_183 = arith.cmpi eq, %iota3A_44, %eq3A_182 : vector<512x16xi32>
      %broadcast_in_dim3A_184 = vector.shape_cast %convert_element_type3A_150 : vector<512x1xi32> to vector<512x1xi32>
      %broadcast_in_dim3A_185 = vector.broadcast %broadcast_in_dim3A_184 : vector<512x1xi32> to vector<512x16xi32>
      %select_n3A_186 = arith.select %eq3A_183, %broadcast_in_dim3A_185, %concatenate3A_168 : vector<512x16xi1>, vector<512x16xi32>
      %select_n3A_187 = arith.select %lt3A_181, %get3A_156, %select_n3A_186 : vector<512x16xi1>, vector<512x16xi32>
      %swap3A_188 = arith.constant 0 : index
      %swap3A_189 = arith.constant 0 : index
      %swap3A_190 = vector.load %arg7[%swap3A_188, %swap3A_189] : memref<512x16xi32, #tpu.memory_space<vmem>>, vector<512x16xi32>
      tpu.vector_store %arg7[%swap3A_188, %swap3A_189], %select_n3A_187 {strides = array<i32>} : memref<512x16xi32, #tpu.memory_space<vmem>>, vector<512x16xi32>,
    } else {
    }
    %gt3A_74 = arith.constant 6.000000e+00 : f32
    %gt3A_75 = arith.cmpf ogt, %min3A_43, %gt3A_74 : f32
    %convert_element_type3A_76 = arith.extui %gt3A_75 : i1 to i32
    %cond3A_77 = arith.constant 0 : i32
    %cond3A_78 = arith.cmpi ne, %convert_element_type3A_76, %cond3A_77 : i32
    scf.if %cond3A_78 {
      %get3A_129 = arith.constant 0 : index
      %get3A_130 = arith.constant 0 : index
      %get3A_131 = vector.load %arg8[%get3A_129, %get3A_130] : memref<512x1024xf32, #tpu.memory_space<vmem>>, vector<512x1024xf32>
      %reduce_min3A = arith.constant dense<0x7F800000> : vector<512xf32>
      %reduce_min3A_132 = vector.multi_reduction <minimumf>, %get3A_131, %reduce_min3A [1] : vector<512x1024xf32> to vector<512xf32>
      %broadcast_in_dim3A_133 = vector.shape_cast %reduce_min3A_132 : vector<512xf32> to vector<512x1xf32>
      %eq3A_134 = vector.broadcast %broadcast_in_dim3A_133 : vector<512x1xf32> to vector<512x1024xf32>
      %eq3A_135 = arith.cmpf oeq, %get3A_131, %eq3A_134 : vector<512x1024xf32>
      %jit3A_136 = arith.constant 3.000000e+08 : f32
      %broadcast_in_dim3A_137 = vector.broadcast %jit3A_136 : f32 to vector<512x1024xf32>
      %select_n3A_138 = arith.select %eq3A_135, %add3A_22, %broadcast_in_dim3A_137 : vector<512x1024xi1>, vector<512x1024xf32>
      %reduce_min3A_139 = arith.constant dense<0x7F800000> : vector<512xf32>
      %reduce_min3A_140 = vector.multi_reduction <minimumf>, %select_n3A_138, %reduce_min3A_139 [1] : vector<512x1024xf32> to vector<512xf32>
      %broadcast_in_dim3A_141 = vector.shape_cast %reduce_min3A_140 : vector<512xf32> to vector<512x1xf32>
      %eq3A_142 = vector.broadcast %broadcast_in_dim3A_141 : vector<512x1xf32> to vector<512x1024xf32>
      %eq3A_143 = arith.cmpf oeq, %add3A_22, %eq3A_142 : vector<512x1024xf32>
      %jit3A_144 = arith.constant 0x7F800000 : f32
      %broadcast_in_dim3A_145 = vector.broadcast %jit3A_144 : f32 to vector<512x1024xf32>
      %select_n3A_146 = arith.select %eq3A_143, %broadcast_in_dim3A_145, %get3A_131 : vector<512x1024xi1>, vector<512x1024xf32>
      %swap3A_147 = arith.constant 0 : index
      %swap3A_148 = arith.constant 0 : index
      %swap3A_149 = vector.load %arg8[%swap3A_147, %swap3A_148] : memref<512x1024xf32, #tpu.memory_space<vmem>>, vector<512x1024xf32>
      tpu.vector_store %arg8[%swap3A_147, %swap3A_148], %select_n3A_146 {strides = array<i32>} : memref<512x1024xf32, #tpu.memory_space<vmem>>, vector<512x1024xf32>,
      %convert_element_type3A_150 = arith.fptosi %broadcast_in_dim3A_141 : vector<512x1xf32> to vector<512x1xi32>
      %get3A_151 = arith.constant 0 : index
      %get3A_152 = arith.constant 0 : index
      %get3A_153 = vector.load %arg6[%get3A_151, %get3A_152] : memref<512x16xf32, #tpu.memory_space<vmem>>, vector<512x16xf32>
      %get3A_154 = arith.constant 0 : index
      %get3A_155 = arith.constant 0 : index
      %get3A_156 = vector.load %arg7[%get3A_154, %get3A_155] : memref<512x16xi32, #tpu.memory_space<vmem>>, vector<512x16xi32>
      %le3A = vector.broadcast %broadcast_in_dim3A_133 : vector<512x1xf32> to vector<512x16xf32>
      %le3A_157 = arith.cmpf ole, %get3A_153, %le3A : vector<512x16xf32>
      %convert_element_type3A_158 = arith.extui %le3A_157 : vector<512x16xi1> to vector<512x16xi32>
      %reduce_sum3A_159 = arith.constant dense<0> : vector<512xi32>
      %reduce_sum3A_160 = vector.multi_reduction <add>, %convert_element_type3A_158, %reduce_sum3A_159 [1] : vector<512x16xi32> to vector<512xi32>
      %broadcast_in_dim3A_161 = vector.shape_cast %reduce_sum3A_160 : vector<512xi32> to vector<512x1xi32>
      %broadcast_in_dim3A_162 = arith.constant 0x7F800000 : f32
      %broadcast_in_dim3A_163 = vector.broadcast %broadcast_in_dim3A_162 : f32 to vector<512x1xf32>
      %slice3A_164 = vector.extract_strided_slice %get3A_153 {offsets = [0, 0], sizes = [512, 15], strides = [1, 1]} : vector<512x16xf32> to vector<512x15xf32>
      %concatenate3A = tpu.concatenate %broadcast_in_dim3A_163, %slice3A_164 in 1 : vector<512x1xf32>, vector<512x15xf32> -> vector<512x16xf32>
      %broadcast_in_dim3A_165 = arith.constant 0 : i32
      %broadcast_in_dim3A_166 = vector.broadcast %broadcast_in_dim3A_165 : i32 to vector<512x1xi32>
      %slice3A_167 = vector.extract_strided_slice %get3A_156 {offsets = [0, 0], sizes = [512, 15], strides = [1, 1]} : vector<512x16xi32> to vector<512x15xi32>
      %concatenate3A_168 = tpu.concatenate %broadcast_in_dim3A_166, %slice3A_167 in 1 : vector<512x1xi32>, vector<512x15xi32> -> vector<512x16xi32>
      %lt3A_169 = vector.broadcast %broadcast_in_dim3A_161 : vector<512x1xi32> to vector<512x16xi32>
      %lt3A_170 = arith.cmpi slt, %iota3A_44, %lt3A_169 : vector<512x16xi32>
      %eq3A_171 = vector.broadcast %broadcast_in_dim3A_161 : vector<512x1xi32> to vector<512x16xi32>
      %eq3A_172 = arith.cmpi eq, %iota3A_44, %eq3A_171 : vector<512x16xi32>
      %broadcast_in_dim3A_173 = vector.shape_cast %broadcast_in_dim3A_133 : vector<512x1xf32> to vector<512x1xf32>
      %broadcast_in_dim3A_174 = vector.broadcast %broadcast_in_dim3A_173 : vector<512x1xf32> to vector<512x16xf32>
      %select_n3A_175 = arith.select %eq3A_172, %broadcast_in_dim3A_174, %concatenate3A : vector<512x16xi1>, vector<512x16xf32>
      %select_n3A_176 = arith.select %lt3A_170, %get3A_153, %select_n3A_175 : vector<512x16xi1>, vector<512x16xf32>
      %swap3A_177 = arith.constant 0 : index
      %swap3A_178 = arith.constant 0 : index
      %swap3A_179 = vector.load %arg6[%swap3A_177, %swap3A_178] : memref<512x16xf32, #tpu.memory_space<vmem>>, vector<512x16xf32>
      tpu.vector_store %arg6[%swap3A_177, %swap3A_178], %select_n3A_176 {strides = array<i32>} : memref<512x16xf32, #tpu.memory_space<vmem>>, vector<512x16xf32>,
      %lt3A_180 = vector.broadcast %broadcast_in_dim3A_161 : vector<512x1xi32> to vector<512x16xi32>
      %lt3A_181 = arith.cmpi slt, %iota3A_44, %lt3A_180 : vector<512x16xi32>
      %eq3A_182 = vector.broadcast %broadcast_in_dim3A_161 : vector<512x1xi32> to vector<512x16xi32>
      %eq3A_183 = arith.cmpi eq, %iota3A_44, %eq3A_182 : vector<512x16xi32>
      %broadcast_in_dim3A_184 = vector.shape_cast %convert_element_type3A_150 : vector<512x1xi32> to vector<512x1xi32>
      %broadcast_in_dim3A_185 = vector.broadcast %broadcast_in_dim3A_184 : vector<512x1xi32> to vector<512x16xi32>
      %select_n3A_186 = arith.select %eq3A_183, %broadcast_in_dim3A_185, %concatenate3A_168 : vector<512x16xi1>, vector<512x16xi32>
      %select_n3A_187 = arith.select %lt3A_181, %get3A_156, %select_n3A_186 : vector<512x16xi1>, vector<512x16xi32>
      %swap3A_188 = arith.constant 0 : index
      %swap3A_189 = arith.constant 0 : index
      %swap3A_190 = vector.load %arg7[%swap3A_188, %swap3A_189] : memref<512x16xi32, #tpu.memory_space<vmem>>, vector<512x16xi32>
      tpu.vector_store %arg7[%swap3A_188, %swap3A_189], %select_n3A_187 {strides = array<i32>} : memref<512x16xi32, #tpu.memory_space<vmem>>, vector<512x16xi32>,
    } else {
    }
    %gt3A_79 = arith.constant 7.000000e+00 : f32
    %gt3A_80 = arith.cmpf ogt, %min3A_43, %gt3A_79 : f32
    %convert_element_type3A_81 = arith.extui %gt3A_80 : i1 to i32
    %cond3A_82 = arith.constant 0 : i32
    %cond3A_83 = arith.cmpi ne, %convert_element_type3A_81, %cond3A_82 : i32
    scf.if %cond3A_83 {
      %get3A_129 = arith.constant 0 : index
      %get3A_130 = arith.constant 0 : index
      %get3A_131 = vector.load %arg8[%get3A_129, %get3A_130] : memref<512x1024xf32, #tpu.memory_space<vmem>>, vector<512x1024xf32>
      %reduce_min3A = arith.constant dense<0x7F800000> : vector<512xf32>
      %reduce_min3A_132 = vector.multi_reduction <minimumf>, %get3A_131, %reduce_min3A [1] : vector<512x1024xf32> to vector<512xf32>
      %broadcast_in_dim3A_133 = vector.shape_cast %reduce_min3A_132 : vector<512xf32> to vector<512x1xf32>
      %eq3A_134 = vector.broadcast %broadcast_in_dim3A_133 : vector<512x1xf32> to vector<512x1024xf32>
      %eq3A_135 = arith.cmpf oeq, %get3A_131, %eq3A_134 : vector<512x1024xf32>
      %jit3A_136 = arith.constant 3.000000e+08 : f32
      %broadcast_in_dim3A_137 = vector.broadcast %jit3A_136 : f32 to vector<512x1024xf32>
      %select_n3A_138 = arith.select %eq3A_135, %add3A_22, %broadcast_in_dim3A_137 : vector<512x1024xi1>, vector<512x1024xf32>
      %reduce_min3A_139 = arith.constant dense<0x7F800000> : vector<512xf32>
      %reduce_min3A_140 = vector.multi_reduction <minimumf>, %select_n3A_138, %reduce_min3A_139 [1] : vector<512x1024xf32> to vector<512xf32>
      %broadcast_in_dim3A_141 = vector.shape_cast %reduce_min3A_140 : vector<512xf32> to vector<512x1xf32>
      %eq3A_142 = vector.broadcast %broadcast_in_dim3A_141 : vector<512x1xf32> to vector<512x1024xf32>
      %eq3A_143 = arith.cmpf oeq, %add3A_22, %eq3A_142 : vector<512x1024xf32>
      %jit3A_144 = arith.constant 0x7F800000 : f32
      %broadcast_in_dim3A_145 = vector.broadcast %jit3A_144 : f32 to vector<512x1024xf32>
      %select_n3A_146 = arith.select %eq3A_143, %broadcast_in_dim3A_145, %get3A_131 : vector<512x1024xi1>, vector<512x1024xf32>
      %swap3A_147 = arith.constant 0 : index
      %swap3A_148 = arith.constant 0 : index
      %swap3A_149 = vector.load %arg8[%swap3A_147, %swap3A_148] : memref<512x1024xf32, #tpu.memory_space<vmem>>, vector<512x1024xf32>
      tpu.vector_store %arg8[%swap3A_147, %swap3A_148], %select_n3A_146 {strides = array<i32>} : memref<512x1024xf32, #tpu.memory_space<vmem>>, vector<512x1024xf32>,
      %convert_element_type3A_150 = arith.fptosi %broadcast_in_dim3A_141 : vector<512x1xf32> to vector<512x1xi32>
      %get3A_151 = arith.constant 0 : index
      %get3A_152 = arith.constant 0 : index
      %get3A_153 = vector.load %arg6[%get3A_151, %get3A_152] : memref<512x16xf32, #tpu.memory_space<vmem>>, vector<512x16xf32>
      %get3A_154 = arith.constant 0 : index
      %get3A_155 = arith.constant 0 : index
      %get3A_156 = vector.load %arg7[%get3A_154, %get3A_155] : memref<512x16xi32, #tpu.memory_space<vmem>>, vector<512x16xi32>
      %le3A = vector.broadcast %broadcast_in_dim3A_133 : vector<512x1xf32> to vector<512x16xf32>
      %le3A_157 = arith.cmpf ole, %get3A_153, %le3A : vector<512x16xf32>
      %convert_element_type3A_158 = arith.extui %le3A_157 : vector<512x16xi1> to vector<512x16xi32>
      %reduce_sum3A_159 = arith.constant dense<0> : vector<512xi32>
      %reduce_sum3A_160 = vector.multi_reduction <add>, %convert_element_type3A_158, %reduce_sum3A_159 [1] : vector<512x16xi32> to vector<512xi32>
      %broadcast_in_dim3A_161 = vector.shape_cast %reduce_sum3A_160 : vector<512xi32> to vector<512x1xi32>
      %broadcast_in_dim3A_162 = arith.constant 0x7F800000 : f32
      %broadcast_in_dim3A_163 = vector.broadcast %broadcast_in_dim3A_162 : f32 to vector<512x1xf32>
      %slice3A_164 = vector.extract_strided_slice %get3A_153 {offsets = [0, 0], sizes = [512, 15], strides = [1, 1]} : vector<512x16xf32> to vector<512x15xf32>
      %concatenate3A = tpu.concatenate %broadcast_in_dim3A_163, %slice3A_164 in 1 : vector<512x1xf32>, vector<512x15xf32> -> vector<512x16xf32>
      %broadcast_in_dim3A_165 = arith.constant 0 : i32
      %broadcast_in_dim3A_166 = vector.broadcast %broadcast_in_dim3A_165 : i32 to vector<512x1xi32>
      %slice3A_167 = vector.extract_strided_slice %get3A_156 {offsets = [0, 0], sizes = [512, 15], strides = [1, 1]} : vector<512x16xi32> to vector<512x15xi32>
      %concatenate3A_168 = tpu.concatenate %broadcast_in_dim3A_166, %slice3A_167 in 1 : vector<512x1xi32>, vector<512x15xi32> -> vector<512x16xi32>
      %lt3A_169 = vector.broadcast %broadcast_in_dim3A_161 : vector<512x1xi32> to vector<512x16xi32>
      %lt3A_170 = arith.cmpi slt, %iota3A_44, %lt3A_169 : vector<512x16xi32>
      %eq3A_171 = vector.broadcast %broadcast_in_dim3A_161 : vector<512x1xi32> to vector<512x16xi32>
      %eq3A_172 = arith.cmpi eq, %iota3A_44, %eq3A_171 : vector<512x16xi32>
      %broadcast_in_dim3A_173 = vector.shape_cast %broadcast_in_dim3A_133 : vector<512x1xf32> to vector<512x1xf32>
      %broadcast_in_dim3A_174 = vector.broadcast %broadcast_in_dim3A_173 : vector<512x1xf32> to vector<512x16xf32>
      %select_n3A_175 = arith.select %eq3A_172, %broadcast_in_dim3A_174, %concatenate3A : vector<512x16xi1>, vector<512x16xf32>
      %select_n3A_176 = arith.select %lt3A_170, %get3A_153, %select_n3A_175 : vector<512x16xi1>, vector<512x16xf32>
      %swap3A_177 = arith.constant 0 : index
      %swap3A_178 = arith.constant 0 : index
      %swap3A_179 = vector.load %arg6[%swap3A_177, %swap3A_178] : memref<512x16xf32, #tpu.memory_space<vmem>>, vector<512x16xf32>
      tpu.vector_store %arg6[%swap3A_177, %swap3A_178], %select_n3A_176 {strides = array<i32>} : memref<512x16xf32, #tpu.memory_space<vmem>>, vector<512x16xf32>,
      %lt3A_180 = vector.broadcast %broadcast_in_dim3A_161 : vector<512x1xi32> to vector<512x16xi32>
      %lt3A_181 = arith.cmpi slt, %iota3A_44, %lt3A_180 : vector<512x16xi32>
      %eq3A_182 = vector.broadcast %broadcast_in_dim3A_161 : vector<512x1xi32> to vector<512x16xi32>
      %eq3A_183 = arith.cmpi eq, %iota3A_44, %eq3A_182 : vector<512x16xi32>
      %broadcast_in_dim3A_184 = vector.shape_cast %convert_element_type3A_150 : vector<512x1xi32> to vector<512x1xi32>
      %broadcast_in_dim3A_185 = vector.broadcast %broadcast_in_dim3A_184 : vector<512x1xi32> to vector<512x16xi32>
      %select_n3A_186 = arith.select %eq3A_183, %broadcast_in_dim3A_185, %concatenate3A_168 : vector<512x16xi1>, vector<512x16xi32>
      %select_n3A_187 = arith.select %lt3A_181, %get3A_156, %select_n3A_186 : vector<512x16xi1>, vector<512x16xi32>
      %swap3A_188 = arith.constant 0 : index
      %swap3A_189 = arith.constant 0 : index
      %swap3A_190 = vector.load %arg7[%swap3A_188, %swap3A_189] : memref<512x16xi32, #tpu.memory_space<vmem>>, vector<512x16xi32>
      tpu.vector_store %arg7[%swap3A_188, %swap3A_189], %select_n3A_187 {strides = array<i32>} : memref<512x16xi32, #tpu.memory_space<vmem>>, vector<512x16xi32>,
    } else {
    }
    %gt3A_84 = arith.constant 8.000000e+00 : f32
    %gt3A_85 = arith.cmpf ogt, %min3A_43, %gt3A_84 : f32
    %convert_element_type3A_86 = arith.extui %gt3A_85 : i1 to i32
    %cond3A_87 = arith.constant 0 : i32
    %cond3A_88 = arith.cmpi ne, %convert_element_type3A_86, %cond3A_87 : i32
    scf.if %cond3A_88 {
      %get3A_129 = arith.constant 0 : index
      %get3A_130 = arith.constant 0 : index
      %get3A_131 = vector.load %arg8[%get3A_129, %get3A_130] : memref<512x1024xf32, #tpu.memory_space<vmem>>, vector<512x1024xf32>
      %reduce_min3A = arith.constant dense<0x7F800000> : vector<512xf32>
      %reduce_min3A_132 = vector.multi_reduction <minimumf>, %get3A_131, %reduce_min3A [1] : vector<512x1024xf32> to vector<512xf32>
      %broadcast_in_dim3A_133 = vector.shape_cast %reduce_min3A_132 : vector<512xf32> to vector<512x1xf32>
      %eq3A_134 = vector.broadcast %broadcast_in_dim3A_133 : vector<512x1xf32> to vector<512x1024xf32>
      %eq3A_135 = arith.cmpf oeq, %get3A_131, %eq3A_134 : vector<512x1024xf32>
      %jit3A_136 = arith.constant 3.000000e+08 : f32
      %broadcast_in_dim3A_137 = vector.broadcast %jit3A_136 : f32 to vector<512x1024xf32>
      %select_n3A_138 = arith.select %eq3A_135, %add3A_22, %broadcast_in_dim3A_137 : vector<512x1024xi1>, vector<512x1024xf32>
      %reduce_min3A_139 = arith.constant dense<0x7F800000> : vector<512xf32>
      %reduce_min3A_140 = vector.multi_reduction <minimumf>, %select_n3A_138, %reduce_min3A_139 [1] : vector<512x1024xf32> to vector<512xf32>
      %broadcast_in_dim3A_141 = vector.shape_cast %reduce_min3A_140 : vector<512xf32> to vector<512x1xf32>
      %eq3A_142 = vector.broadcast %broadcast_in_dim3A_141 : vector<512x1xf32> to vector<512x1024xf32>
      %eq3A_143 = arith.cmpf oeq, %add3A_22, %eq3A_142 : vector<512x1024xf32>
      %jit3A_144 = arith.constant 0x7F800000 : f32
      %broadcast_in_dim3A_145 = vector.broadcast %jit3A_144 : f32 to vector<512x1024xf32>
      %select_n3A_146 = arith.select %eq3A_143, %broadcast_in_dim3A_145, %get3A_131 : vector<512x1024xi1>, vector<512x1024xf32>
      %swap3A_147 = arith.constant 0 : index
      %swap3A_148 = arith.constant 0 : index
      %swap3A_149 = vector.load %arg8[%swap3A_147, %swap3A_148] : memref<512x1024xf32, #tpu.memory_space<vmem>>, vector<512x1024xf32>
      tpu.vector_store %arg8[%swap3A_147, %swap3A_148], %select_n3A_146 {strides = array<i32>} : memref<512x1024xf32, #tpu.memory_space<vmem>>, vector<512x1024xf32>,
      %convert_element_type3A_150 = arith.fptosi %broadcast_in_dim3A_141 : vector<512x1xf32> to vector<512x1xi32>
      %get3A_151 = arith.constant 0 : index
      %get3A_152 = arith.constant 0 : index
      %get3A_153 = vector.load %arg6[%get3A_151, %get3A_152] : memref<512x16xf32, #tpu.memory_space<vmem>>, vector<512x16xf32>
      %get3A_154 = arith.constant 0 : index
      %get3A_155 = arith.constant 0 : index
      %get3A_156 = vector.load %arg7[%get3A_154, %get3A_155] : memref<512x16xi32, #tpu.memory_space<vmem>>, vector<512x16xi32>
      %le3A = vector.broadcast %broadcast_in_dim3A_133 : vector<512x1xf32> to vector<512x16xf32>
      %le3A_157 = arith.cmpf ole, %get3A_153, %le3A : vector<512x16xf32>
      %convert_element_type3A_158 = arith.extui %le3A_157 : vector<512x16xi1> to vector<512x16xi32>
      %reduce_sum3A_159 = arith.constant dense<0> : vector<512xi32>
      %reduce_sum3A_160 = vector.multi_reduction <add>, %convert_element_type3A_158, %reduce_sum3A_159 [1] : vector<512x16xi32> to vector<512xi32>
      %broadcast_in_dim3A_161 = vector.shape_cast %reduce_sum3A_160 : vector<512xi32> to vector<512x1xi32>
      %broadcast_in_dim3A_162 = arith.constant 0x7F800000 : f32
      %broadcast_in_dim3A_163 = vector.broadcast %broadcast_in_dim3A_162 : f32 to vector<512x1xf32>
      %slice3A_164 = vector.extract_strided_slice %get3A_153 {offsets = [0, 0], sizes = [512, 15], strides = [1, 1]} : vector<512x16xf32> to vector<512x15xf32>
      %concatenate3A = tpu.concatenate %broadcast_in_dim3A_163, %slice3A_164 in 1 : vector<512x1xf32>, vector<512x15xf32> -> vector<512x16xf32>
      %broadcast_in_dim3A_165 = arith.constant 0 : i32
      %broadcast_in_dim3A_166 = vector.broadcast %broadcast_in_dim3A_165 : i32 to vector<512x1xi32>
      %slice3A_167 = vector.extract_strided_slice %get3A_156 {offsets = [0, 0], sizes = [512, 15], strides = [1, 1]} : vector<512x16xi32> to vector<512x15xi32>
      %concatenate3A_168 = tpu.concatenate %broadcast_in_dim3A_166, %slice3A_167 in 1 : vector<512x1xi32>, vector<512x15xi32> -> vector<512x16xi32>
      %lt3A_169 = vector.broadcast %broadcast_in_dim3A_161 : vector<512x1xi32> to vector<512x16xi32>
      %lt3A_170 = arith.cmpi slt, %iota3A_44, %lt3A_169 : vector<512x16xi32>
      %eq3A_171 = vector.broadcast %broadcast_in_dim3A_161 : vector<512x1xi32> to vector<512x16xi32>
      %eq3A_172 = arith.cmpi eq, %iota3A_44, %eq3A_171 : vector<512x16xi32>
      %broadcast_in_dim3A_173 = vector.shape_cast %broadcast_in_dim3A_133 : vector<512x1xf32> to vector<512x1xf32>
      %broadcast_in_dim3A_174 = vector.broadcast %broadcast_in_dim3A_173 : vector<512x1xf32> to vector<512x16xf32>
      %select_n3A_175 = arith.select %eq3A_172, %broadcast_in_dim3A_174, %concatenate3A : vector<512x16xi1>, vector<512x16xf32>
      %select_n3A_176 = arith.select %lt3A_170, %get3A_153, %select_n3A_175 : vector<512x16xi1>, vector<512x16xf32>
      %swap3A_177 = arith.constant 0 : index
      %swap3A_178 = arith.constant 0 : index
      %swap3A_179 = vector.load %arg6[%swap3A_177, %swap3A_178] : memref<512x16xf32, #tpu.memory_space<vmem>>, vector<512x16xf32>
      tpu.vector_store %arg6[%swap3A_177, %swap3A_178], %select_n3A_176 {strides = array<i32>} : memref<512x16xf32, #tpu.memory_space<vmem>>, vector<512x16xf32>,
      %lt3A_180 = vector.broadcast %broadcast_in_dim3A_161 : vector<512x1xi32> to vector<512x16xi32>
      %lt3A_181 = arith.cmpi slt, %iota3A_44, %lt3A_180 : vector<512x16xi32>
      %eq3A_182 = vector.broadcast %broadcast_in_dim3A_161 : vector<512x1xi32> to vector<512x16xi32>
      %eq3A_183 = arith.cmpi eq, %iota3A_44, %eq3A_182 : vector<512x16xi32>
      %broadcast_in_dim3A_184 = vector.shape_cast %convert_element_type3A_150 : vector<512x1xi32> to vector<512x1xi32>
      %broadcast_in_dim3A_185 = vector.broadcast %broadcast_in_dim3A_184 : vector<512x1xi32> to vector<512x16xi32>
      %select_n3A_186 = arith.select %eq3A_183, %broadcast_in_dim3A_185, %concatenate3A_168 : vector<512x16xi1>, vector<512x16xi32>
      %select_n3A_187 = arith.select %lt3A_181, %get3A_156, %select_n3A_186 : vector<512x16xi1>, vector<512x16xi32>
      %swap3A_188 = arith.constant 0 : index
      %swap3A_189 = arith.constant 0 : index
      %swap3A_190 = vector.load %arg7[%swap3A_188, %swap3A_189] : memref<512x16xi32, #tpu.memory_space<vmem>>, vector<512x16xi32>
      tpu.vector_store %arg7[%swap3A_188, %swap3A_189], %select_n3A_187 {strides = array<i32>} : memref<512x16xi32, #tpu.memory_space<vmem>>, vector<512x16xi32>,
    } else {
    }
    %gt3A_89 = arith.constant 9.000000e+00 : f32
    %gt3A_90 = arith.cmpf ogt, %min3A_43, %gt3A_89 : f32
    %convert_element_type3A_91 = arith.extui %gt3A_90 : i1 to i32
    %cond3A_92 = arith.constant 0 : i32
    %cond3A_93 = arith.cmpi ne, %convert_element_type3A_91, %cond3A_92 : i32
    scf.if %cond3A_93 {
      %get3A_129 = arith.constant 0 : index
      %get3A_130 = arith.constant 0 : index
      %get3A_131 = vector.load %arg8[%get3A_129, %get3A_130] : memref<512x1024xf32, #tpu.memory_space<vmem>>, vector<512x1024xf32>
      %reduce_min3A = arith.constant dense<0x7F800000> : vector<512xf32>
      %reduce_min3A_132 = vector.multi_reduction <minimumf>, %get3A_131, %reduce_min3A [1] : vector<512x1024xf32> to vector<512xf32>
      %broadcast_in_dim3A_133 = vector.shape_cast %reduce_min3A_132 : vector<512xf32> to vector<512x1xf32>
      %eq3A_134 = vector.broadcast %broadcast_in_dim3A_133 : vector<512x1xf32> to vector<512x1024xf32>
      %eq3A_135 = arith.cmpf oeq, %get3A_131, %eq3A_134 : vector<512x1024xf32>
      %jit3A_136 = arith.constant 3.000000e+08 : f32
      %broadcast_in_dim3A_137 = vector.broadcast %jit3A_136 : f32 to vector<512x1024xf32>
      %select_n3A_138 = arith.select %eq3A_135, %add3A_22, %broadcast_in_dim3A_137 : vector<512x1024xi1>, vector<512x1024xf32>
      %reduce_min3A_139 = arith.constant dense<0x7F800000> : vector<512xf32>
      %reduce_min3A_140 = vector.multi_reduction <minimumf>, %select_n3A_138, %reduce_min3A_139 [1] : vector<512x1024xf32> to vector<512xf32>
      %broadcast_in_dim3A_141 = vector.shape_cast %reduce_min3A_140 : vector<512xf32> to vector<512x1xf32>
      %eq3A_142 = vector.broadcast %broadcast_in_dim3A_141 : vector<512x1xf32> to vector<512x1024xf32>
      %eq3A_143 = arith.cmpf oeq, %add3A_22, %eq3A_142 : vector<512x1024xf32>
      %jit3A_144 = arith.constant 0x7F800000 : f32
      %broadcast_in_dim3A_145 = vector.broadcast %jit3A_144 : f32 to vector<512x1024xf32>
      %select_n3A_146 = arith.select %eq3A_143, %broadcast_in_dim3A_145, %get3A_131 : vector<512x1024xi1>, vector<512x1024xf32>
      %swap3A_147 = arith.constant 0 : index
      %swap3A_148 = arith.constant 0 : index
      %swap3A_149 = vector.load %arg8[%swap3A_147, %swap3A_148] : memref<512x1024xf32, #tpu.memory_space<vmem>>, vector<512x1024xf32>
      tpu.vector_store %arg8[%swap3A_147, %swap3A_148], %select_n3A_146 {strides = array<i32>} : memref<512x1024xf32, #tpu.memory_space<vmem>>, vector<512x1024xf32>,
      %convert_element_type3A_150 = arith.fptosi %broadcast_in_dim3A_141 : vector<512x1xf32> to vector<512x1xi32>
      %get3A_151 = arith.constant 0 : index
      %get3A_152 = arith.constant 0 : index
      %get3A_153 = vector.load %arg6[%get3A_151, %get3A_152] : memref<512x16xf32, #tpu.memory_space<vmem>>, vector<512x16xf32>
      %get3A_154 = arith.constant 0 : index
      %get3A_155 = arith.constant 0 : index
      %get3A_156 = vector.load %arg7[%get3A_154, %get3A_155] : memref<512x16xi32, #tpu.memory_space<vmem>>, vector<512x16xi32>
      %le3A = vector.broadcast %broadcast_in_dim3A_133 : vector<512x1xf32> to vector<512x16xf32>
      %le3A_157 = arith.cmpf ole, %get3A_153, %le3A : vector<512x16xf32>
      %convert_element_type3A_158 = arith.extui %le3A_157 : vector<512x16xi1> to vector<512x16xi32>
      %reduce_sum3A_159 = arith.constant dense<0> : vector<512xi32>
      %reduce_sum3A_160 = vector.multi_reduction <add>, %convert_element_type3A_158, %reduce_sum3A_159 [1] : vector<512x16xi32> to vector<512xi32>
      %broadcast_in_dim3A_161 = vector.shape_cast %reduce_sum3A_160 : vector<512xi32> to vector<512x1xi32>
      %broadcast_in_dim3A_162 = arith.constant 0x7F800000 : f32
      %broadcast_in_dim3A_163 = vector.broadcast %broadcast_in_dim3A_162 : f32 to vector<512x1xf32>
      %slice3A_164 = vector.extract_strided_slice %get3A_153 {offsets = [0, 0], sizes = [512, 15], strides = [1, 1]} : vector<512x16xf32> to vector<512x15xf32>
      %concatenate3A = tpu.concatenate %broadcast_in_dim3A_163, %slice3A_164 in 1 : vector<512x1xf32>, vector<512x15xf32> -> vector<512x16xf32>
      %broadcast_in_dim3A_165 = arith.constant 0 : i32
      %broadcast_in_dim3A_166 = vector.broadcast %broadcast_in_dim3A_165 : i32 to vector<512x1xi32>
      %slice3A_167 = vector.extract_strided_slice %get3A_156 {offsets = [0, 0], sizes = [512, 15], strides = [1, 1]} : vector<512x16xi32> to vector<512x15xi32>
      %concatenate3A_168 = tpu.concatenate %broadcast_in_dim3A_166, %slice3A_167 in 1 : vector<512x1xi32>, vector<512x15xi32> -> vector<512x16xi32>
      %lt3A_169 = vector.broadcast %broadcast_in_dim3A_161 : vector<512x1xi32> to vector<512x16xi32>
      %lt3A_170 = arith.cmpi slt, %iota3A_44, %lt3A_169 : vector<512x16xi32>
      %eq3A_171 = vector.broadcast %broadcast_in_dim3A_161 : vector<512x1xi32> to vector<512x16xi32>
      %eq3A_172 = arith.cmpi eq, %iota3A_44, %eq3A_171 : vector<512x16xi32>
      %broadcast_in_dim3A_173 = vector.shape_cast %broadcast_in_dim3A_133 : vector<512x1xf32> to vector<512x1xf32>
      %broadcast_in_dim3A_174 = vector.broadcast %broadcast_in_dim3A_173 : vector<512x1xf32> to vector<512x16xf32>
      %select_n3A_175 = arith.select %eq3A_172, %broadcast_in_dim3A_174, %concatenate3A : vector<512x16xi1>, vector<512x16xf32>
      %select_n3A_176 = arith.select %lt3A_170, %get3A_153, %select_n3A_175 : vector<512x16xi1>, vector<512x16xf32>
      %swap3A_177 = arith.constant 0 : index
      %swap3A_178 = arith.constant 0 : index
      %swap3A_179 = vector.load %arg6[%swap3A_177, %swap3A_178] : memref<512x16xf32, #tpu.memory_space<vmem>>, vector<512x16xf32>
      tpu.vector_store %arg6[%swap3A_177, %swap3A_178], %select_n3A_176 {strides = array<i32>} : memref<512x16xf32, #tpu.memory_space<vmem>>, vector<512x16xf32>,
      %lt3A_180 = vector.broadcast %broadcast_in_dim3A_161 : vector<512x1xi32> to vector<512x16xi32>
      %lt3A_181 = arith.cmpi slt, %iota3A_44, %lt3A_180 : vector<512x16xi32>
      %eq3A_182 = vector.broadcast %broadcast_in_dim3A_161 : vector<512x1xi32> to vector<512x16xi32>
      %eq3A_183 = arith.cmpi eq, %iota3A_44, %eq3A_182 : vector<512x16xi32>
      %broadcast_in_dim3A_184 = vector.shape_cast %convert_element_type3A_150 : vector<512x1xi32> to vector<512x1xi32>
      %broadcast_in_dim3A_185 = vector.broadcast %broadcast_in_dim3A_184 : vector<512x1xi32> to vector<512x16xi32>
      %select_n3A_186 = arith.select %eq3A_183, %broadcast_in_dim3A_185, %concatenate3A_168 : vector<512x16xi1>, vector<512x16xi32>
      %select_n3A_187 = arith.select %lt3A_181, %get3A_156, %select_n3A_186 : vector<512x16xi1>, vector<512x16xi32>
      %swap3A_188 = arith.constant 0 : index
      %swap3A_189 = arith.constant 0 : index
      %swap3A_190 = vector.load %arg7[%swap3A_188, %swap3A_189] : memref<512x16xi32, #tpu.memory_space<vmem>>, vector<512x16xi32>
      tpu.vector_store %arg7[%swap3A_188, %swap3A_189], %select_n3A_187 {strides = array<i32>} : memref<512x16xi32, #tpu.memory_space<vmem>>, vector<512x16xi32>,
    } else {
    }
    %gt3A_94 = arith.constant 1.000000e+01 : f32
    %gt3A_95 = arith.cmpf ogt, %min3A_43, %gt3A_94 : f32
    %convert_element_type3A_96 = arith.extui %gt3A_95 : i1 to i32
    %cond3A_97 = arith.constant 0 : i32
    %cond3A_98 = arith.cmpi ne, %convert_element_type3A_96, %cond3A_97 : i32
    scf.if %cond3A_98 {
      %get3A_129 = arith.constant 0 : index
      %get3A_130 = arith.constant 0 : index
      %get3A_131 = vector.load %arg8[%get3A_129, %get3A_130] : memref<512x1024xf32, #tpu.memory_space<vmem>>, vector<512x1024xf32>
      %reduce_min3A = arith.constant dense<0x7F800000> : vector<512xf32>
      %reduce_min3A_132 = vector.multi_reduction <minimumf>, %get3A_131, %reduce_min3A [1] : vector<512x1024xf32> to vector<512xf32>
      %broadcast_in_dim3A_133 = vector.shape_cast %reduce_min3A_132 : vector<512xf32> to vector<512x1xf32>
      %eq3A_134 = vector.broadcast %broadcast_in_dim3A_133 : vector<512x1xf32> to vector<512x1024xf32>
      %eq3A_135 = arith.cmpf oeq, %get3A_131, %eq3A_134 : vector<512x1024xf32>
      %jit3A_136 = arith.constant 3.000000e+08 : f32
      %broadcast_in_dim3A_137 = vector.broadcast %jit3A_136 : f32 to vector<512x1024xf32>
      %select_n3A_138 = arith.select %eq3A_135, %add3A_22, %broadcast_in_dim3A_137 : vector<512x1024xi1>, vector<512x1024xf32>
      %reduce_min3A_139 = arith.constant dense<0x7F800000> : vector<512xf32>
      %reduce_min3A_140 = vector.multi_reduction <minimumf>, %select_n3A_138, %reduce_min3A_139 [1] : vector<512x1024xf32> to vector<512xf32>
      %broadcast_in_dim3A_141 = vector.shape_cast %reduce_min3A_140 : vector<512xf32> to vector<512x1xf32>
      %eq3A_142 = vector.broadcast %broadcast_in_dim3A_141 : vector<512x1xf32> to vector<512x1024xf32>
      %eq3A_143 = arith.cmpf oeq, %add3A_22, %eq3A_142 : vector<512x1024xf32>
      %jit3A_144 = arith.constant 0x7F800000 : f32
      %broadcast_in_dim3A_145 = vector.broadcast %jit3A_144 : f32 to vector<512x1024xf32>
      %select_n3A_146 = arith.select %eq3A_143, %broadcast_in_dim3A_145, %get3A_131 : vector<512x1024xi1>, vector<512x1024xf32>
      %swap3A_147 = arith.constant 0 : index
      %swap3A_148 = arith.constant 0 : index
      %swap3A_149 = vector.load %arg8[%swap3A_147, %swap3A_148] : memref<512x1024xf32, #tpu.memory_space<vmem>>, vector<512x1024xf32>
      tpu.vector_store %arg8[%swap3A_147, %swap3A_148], %select_n3A_146 {strides = array<i32>} : memref<512x1024xf32, #tpu.memory_space<vmem>>, vector<512x1024xf32>,
      %convert_element_type3A_150 = arith.fptosi %broadcast_in_dim3A_141 : vector<512x1xf32> to vector<512x1xi32>
      %get3A_151 = arith.constant 0 : index
      %get3A_152 = arith.constant 0 : index
      %get3A_153 = vector.load %arg6[%get3A_151, %get3A_152] : memref<512x16xf32, #tpu.memory_space<vmem>>, vector<512x16xf32>
      %get3A_154 = arith.constant 0 : index
      %get3A_155 = arith.constant 0 : index
      %get3A_156 = vector.load %arg7[%get3A_154, %get3A_155] : memref<512x16xi32, #tpu.memory_space<vmem>>, vector<512x16xi32>
      %le3A = vector.broadcast %broadcast_in_dim3A_133 : vector<512x1xf32> to vector<512x16xf32>
      %le3A_157 = arith.cmpf ole, %get3A_153, %le3A : vector<512x16xf32>
      %convert_element_type3A_158 = arith.extui %le3A_157 : vector<512x16xi1> to vector<512x16xi32>
      %reduce_sum3A_159 = arith.constant dense<0> : vector<512xi32>
      %reduce_sum3A_160 = vector.multi_reduction <add>, %convert_element_type3A_158, %reduce_sum3A_159 [1] : vector<512x16xi32> to vector<512xi32>
      %broadcast_in_dim3A_161 = vector.shape_cast %reduce_sum3A_160 : vector<512xi32> to vector<512x1xi32>
      %broadcast_in_dim3A_162 = arith.constant 0x7F800000 : f32
      %broadcast_in_dim3A_163 = vector.broadcast %broadcast_in_dim3A_162 : f32 to vector<512x1xf32>
      %slice3A_164 = vector.extract_strided_slice %get3A_153 {offsets = [0, 0], sizes = [512, 15], strides = [1, 1]} : vector<512x16xf32> to vector<512x15xf32>
      %concatenate3A = tpu.concatenate %broadcast_in_dim3A_163, %slice3A_164 in 1 : vector<512x1xf32>, vector<512x15xf32> -> vector<512x16xf32>
      %broadcast_in_dim3A_165 = arith.constant 0 : i32
      %broadcast_in_dim3A_166 = vector.broadcast %broadcast_in_dim3A_165 : i32 to vector<512x1xi32>
      %slice3A_167 = vector.extract_strided_slice %get3A_156 {offsets = [0, 0], sizes = [512, 15], strides = [1, 1]} : vector<512x16xi32> to vector<512x15xi32>
      %concatenate3A_168 = tpu.concatenate %broadcast_in_dim3A_166, %slice3A_167 in 1 : vector<512x1xi32>, vector<512x15xi32> -> vector<512x16xi32>
      %lt3A_169 = vector.broadcast %broadcast_in_dim3A_161 : vector<512x1xi32> to vector<512x16xi32>
      %lt3A_170 = arith.cmpi slt, %iota3A_44, %lt3A_169 : vector<512x16xi32>
      %eq3A_171 = vector.broadcast %broadcast_in_dim3A_161 : vector<512x1xi32> to vector<512x16xi32>
      %eq3A_172 = arith.cmpi eq, %iota3A_44, %eq3A_171 : vector<512x16xi32>
      %broadcast_in_dim3A_173 = vector.shape_cast %broadcast_in_dim3A_133 : vector<512x1xf32> to vector<512x1xf32>
      %broadcast_in_dim3A_174 = vector.broadcast %broadcast_in_dim3A_173 : vector<512x1xf32> to vector<512x16xf32>
      %select_n3A_175 = arith.select %eq3A_172, %broadcast_in_dim3A_174, %concatenate3A : vector<512x16xi1>, vector<512x16xf32>
      %select_n3A_176 = arith.select %lt3A_170, %get3A_153, %select_n3A_175 : vector<512x16xi1>, vector<512x16xf32>
      %swap3A_177 = arith.constant 0 : index
      %swap3A_178 = arith.constant 0 : index
      %swap3A_179 = vector.load %arg6[%swap3A_177, %swap3A_178] : memref<512x16xf32, #tpu.memory_space<vmem>>, vector<512x16xf32>
      tpu.vector_store %arg6[%swap3A_177, %swap3A_178], %select_n3A_176 {strides = array<i32>} : memref<512x16xf32, #tpu.memory_space<vmem>>, vector<512x16xf32>,
      %lt3A_180 = vector.broadcast %broadcast_in_dim3A_161 : vector<512x1xi32> to vector<512x16xi32>
      %lt3A_181 = arith.cmpi slt, %iota3A_44, %lt3A_180 : vector<512x16xi32>
      %eq3A_182 = vector.broadcast %broadcast_in_dim3A_161 : vector<512x1xi32> to vector<512x16xi32>
      %eq3A_183 = arith.cmpi eq, %iota3A_44, %eq3A_182 : vector<512x16xi32>
      %broadcast_in_dim3A_184 = vector.shape_cast %convert_element_type3A_150 : vector<512x1xi32> to vector<512x1xi32>
      %broadcast_in_dim3A_185 = vector.broadcast %broadcast_in_dim3A_184 : vector<512x1xi32> to vector<512x16xi32>
      %select_n3A_186 = arith.select %eq3A_183, %broadcast_in_dim3A_185, %concatenate3A_168 : vector<512x16xi1>, vector<512x16xi32>
      %select_n3A_187 = arith.select %lt3A_181, %get3A_156, %select_n3A_186 : vector<512x16xi1>, vector<512x16xi32>
      %swap3A_188 = arith.constant 0 : index
      %swap3A_189 = arith.constant 0 : index
      %swap3A_190 = vector.load %arg7[%swap3A_188, %swap3A_189] : memref<512x16xi32, #tpu.memory_space<vmem>>, vector<512x16xi32>
      tpu.vector_store %arg7[%swap3A_188, %swap3A_189], %select_n3A_187 {strides = array<i32>} : memref<512x16xi32, #tpu.memory_space<vmem>>, vector<512x16xi32>,
    } else {
    }
    %gt3A_99 = arith.constant 1.100000e+01 : f32
    %gt3A_100 = arith.cmpf ogt, %min3A_43, %gt3A_99 : f32
    %convert_element_type3A_101 = arith.extui %gt3A_100 : i1 to i32
    %cond3A_102 = arith.constant 0 : i32
    %cond3A_103 = arith.cmpi ne, %convert_element_type3A_101, %cond3A_102 : i32
    scf.if %cond3A_103 {
      %get3A_129 = arith.constant 0 : index
      %get3A_130 = arith.constant 0 : index
      %get3A_131 = vector.load %arg8[%get3A_129, %get3A_130] : memref<512x1024xf32, #tpu.memory_space<vmem>>, vector<512x1024xf32>
      %reduce_min3A = arith.constant dense<0x7F800000> : vector<512xf32>
      %reduce_min3A_132 = vector.multi_reduction <minimumf>, %get3A_131, %reduce_min3A [1] : vector<512x1024xf32> to vector<512xf32>
      %broadcast_in_dim3A_133 = vector.shape_cast %reduce_min3A_132 : vector<512xf32> to vector<512x1xf32>
      %eq3A_134 = vector.broadcast %broadcast_in_dim3A_133 : vector<512x1xf32> to vector<512x1024xf32>
      %eq3A_135 = arith.cmpf oeq, %get3A_131, %eq3A_134 : vector<512x1024xf32>
      %jit3A_136 = arith.constant 3.000000e+08 : f32
      %broadcast_in_dim3A_137 = vector.broadcast %jit3A_136 : f32 to vector<512x1024xf32>
      %select_n3A_138 = arith.select %eq3A_135, %add3A_22, %broadcast_in_dim3A_137 : vector<512x1024xi1>, vector<512x1024xf32>
      %reduce_min3A_139 = arith.constant dense<0x7F800000> : vector<512xf32>
      %reduce_min3A_140 = vector.multi_reduction <minimumf>, %select_n3A_138, %reduce_min3A_139 [1] : vector<512x1024xf32> to vector<512xf32>
      %broadcast_in_dim3A_141 = vector.shape_cast %reduce_min3A_140 : vector<512xf32> to vector<512x1xf32>
      %eq3A_142 = vector.broadcast %broadcast_in_dim3A_141 : vector<512x1xf32> to vector<512x1024xf32>
      %eq3A_143 = arith.cmpf oeq, %add3A_22, %eq3A_142 : vector<512x1024xf32>
      %jit3A_144 = arith.constant 0x7F800000 : f32
      %broadcast_in_dim3A_145 = vector.broadcast %jit3A_144 : f32 to vector<512x1024xf32>
      %select_n3A_146 = arith.select %eq3A_143, %broadcast_in_dim3A_145, %get3A_131 : vector<512x1024xi1>, vector<512x1024xf32>
      %swap3A_147 = arith.constant 0 : index
      %swap3A_148 = arith.constant 0 : index
      %swap3A_149 = vector.load %arg8[%swap3A_147, %swap3A_148] : memref<512x1024xf32, #tpu.memory_space<vmem>>, vector<512x1024xf32>
      tpu.vector_store %arg8[%swap3A_147, %swap3A_148], %select_n3A_146 {strides = array<i32>} : memref<512x1024xf32, #tpu.memory_space<vmem>>, vector<512x1024xf32>,
      %convert_element_type3A_150 = arith.fptosi %broadcast_in_dim3A_141 : vector<512x1xf32> to vector<512x1xi32>
      %get3A_151 = arith.constant 0 : index
      %get3A_152 = arith.constant 0 : index
      %get3A_153 = vector.load %arg6[%get3A_151, %get3A_152] : memref<512x16xf32, #tpu.memory_space<vmem>>, vector<512x16xf32>
      %get3A_154 = arith.constant 0 : index
      %get3A_155 = arith.constant 0 : index
      %get3A_156 = vector.load %arg7[%get3A_154, %get3A_155] : memref<512x16xi32, #tpu.memory_space<vmem>>, vector<512x16xi32>
      %le3A = vector.broadcast %broadcast_in_dim3A_133 : vector<512x1xf32> to vector<512x16xf32>
      %le3A_157 = arith.cmpf ole, %get3A_153, %le3A : vector<512x16xf32>
      %convert_element_type3A_158 = arith.extui %le3A_157 : vector<512x16xi1> to vector<512x16xi32>
      %reduce_sum3A_159 = arith.constant dense<0> : vector<512xi32>
      %reduce_sum3A_160 = vector.multi_reduction <add>, %convert_element_type3A_158, %reduce_sum3A_159 [1] : vector<512x16xi32> to vector<512xi32>
      %broadcast_in_dim3A_161 = vector.shape_cast %reduce_sum3A_160 : vector<512xi32> to vector<512x1xi32>
      %broadcast_in_dim3A_162 = arith.constant 0x7F800000 : f32
      %broadcast_in_dim3A_163 = vector.broadcast %broadcast_in_dim3A_162 : f32 to vector<512x1xf32>
      %slice3A_164 = vector.extract_strided_slice %get3A_153 {offsets = [0, 0], sizes = [512, 15], strides = [1, 1]} : vector<512x16xf32> to vector<512x15xf32>
      %concatenate3A = tpu.concatenate %broadcast_in_dim3A_163, %slice3A_164 in 1 : vector<512x1xf32>, vector<512x15xf32> -> vector<512x16xf32>
      %broadcast_in_dim3A_165 = arith.constant 0 : i32
      %broadcast_in_dim3A_166 = vector.broadcast %broadcast_in_dim3A_165 : i32 to vector<512x1xi32>
      %slice3A_167 = vector.extract_strided_slice %get3A_156 {offsets = [0, 0], sizes = [512, 15], strides = [1, 1]} : vector<512x16xi32> to vector<512x15xi32>
      %concatenate3A_168 = tpu.concatenate %broadcast_in_dim3A_166, %slice3A_167 in 1 : vector<512x1xi32>, vector<512x15xi32> -> vector<512x16xi32>
      %lt3A_169 = vector.broadcast %broadcast_in_dim3A_161 : vector<512x1xi32> to vector<512x16xi32>
      %lt3A_170 = arith.cmpi slt, %iota3A_44, %lt3A_169 : vector<512x16xi32>
      %eq3A_171 = vector.broadcast %broadcast_in_dim3A_161 : vector<512x1xi32> to vector<512x16xi32>
      %eq3A_172 = arith.cmpi eq, %iota3A_44, %eq3A_171 : vector<512x16xi32>
      %broadcast_in_dim3A_173 = vector.shape_cast %broadcast_in_dim3A_133 : vector<512x1xf32> to vector<512x1xf32>
      %broadcast_in_dim3A_174 = vector.broadcast %broadcast_in_dim3A_173 : vector<512x1xf32> to vector<512x16xf32>
      %select_n3A_175 = arith.select %eq3A_172, %broadcast_in_dim3A_174, %concatenate3A : vector<512x16xi1>, vector<512x16xf32>
      %select_n3A_176 = arith.select %lt3A_170, %get3A_153, %select_n3A_175 : vector<512x16xi1>, vector<512x16xf32>
      %swap3A_177 = arith.constant 0 : index
      %swap3A_178 = arith.constant 0 : index
      %swap3A_179 = vector.load %arg6[%swap3A_177, %swap3A_178] : memref<512x16xf32, #tpu.memory_space<vmem>>, vector<512x16xf32>
      tpu.vector_store %arg6[%swap3A_177, %swap3A_178], %select_n3A_176 {strides = array<i32>} : memref<512x16xf32, #tpu.memory_space<vmem>>, vector<512x16xf32>,
      %lt3A_180 = vector.broadcast %broadcast_in_dim3A_161 : vector<512x1xi32> to vector<512x16xi32>
      %lt3A_181 = arith.cmpi slt, %iota3A_44, %lt3A_180 : vector<512x16xi32>
      %eq3A_182 = vector.broadcast %broadcast_in_dim3A_161 : vector<512x1xi32> to vector<512x16xi32>
      %eq3A_183 = arith.cmpi eq, %iota3A_44, %eq3A_182 : vector<512x16xi32>
      %broadcast_in_dim3A_184 = vector.shape_cast %convert_element_type3A_150 : vector<512x1xi32> to vector<512x1xi32>
      %broadcast_in_dim3A_185 = vector.broadcast %broadcast_in_dim3A_184 : vector<512x1xi32> to vector<512x16xi32>
      %select_n3A_186 = arith.select %eq3A_183, %broadcast_in_dim3A_185, %concatenate3A_168 : vector<512x16xi1>, vector<512x16xi32>
      %select_n3A_187 = arith.select %lt3A_181, %get3A_156, %select_n3A_186 : vector<512x16xi1>, vector<512x16xi32>
      %swap3A_188 = arith.constant 0 : index
      %swap3A_189 = arith.constant 0 : index
      %swap3A_190 = vector.load %arg7[%swap3A_188, %swap3A_189] : memref<512x16xi32, #tpu.memory_space<vmem>>, vector<512x16xi32>
      tpu.vector_store %arg7[%swap3A_188, %swap3A_189], %select_n3A_187 {strides = array<i32>} : memref<512x16xi32, #tpu.memory_space<vmem>>, vector<512x16xi32>,
    } else {
    }
    %gt3A_104 = arith.constant 1.200000e+01 : f32
    %gt3A_105 = arith.cmpf ogt, %min3A_43, %gt3A_104 : f32
    %convert_element_type3A_106 = arith.extui %gt3A_105 : i1 to i32
    %cond3A_107 = arith.constant 0 : i32
    %cond3A_108 = arith.cmpi ne, %convert_element_type3A_106, %cond3A_107 : i32
    scf.if %cond3A_108 {
      %get3A_129 = arith.constant 0 : index
      %get3A_130 = arith.constant 0 : index
      %get3A_131 = vector.load %arg8[%get3A_129, %get3A_130] : memref<512x1024xf32, #tpu.memory_space<vmem>>, vector<512x1024xf32>
      %reduce_min3A = arith.constant dense<0x7F800000> : vector<512xf32>
      %reduce_min3A_132 = vector.multi_reduction <minimumf>, %get3A_131, %reduce_min3A [1] : vector<512x1024xf32> to vector<512xf32>
      %broadcast_in_dim3A_133 = vector.shape_cast %reduce_min3A_132 : vector<512xf32> to vector<512x1xf32>
      %eq3A_134 = vector.broadcast %broadcast_in_dim3A_133 : vector<512x1xf32> to vector<512x1024xf32>
      %eq3A_135 = arith.cmpf oeq, %get3A_131, %eq3A_134 : vector<512x1024xf32>
      %jit3A_136 = arith.constant 3.000000e+08 : f32
      %broadcast_in_dim3A_137 = vector.broadcast %jit3A_136 : f32 to vector<512x1024xf32>
      %select_n3A_138 = arith.select %eq3A_135, %add3A_22, %broadcast_in_dim3A_137 : vector<512x1024xi1>, vector<512x1024xf32>
      %reduce_min3A_139 = arith.constant dense<0x7F800000> : vector<512xf32>
      %reduce_min3A_140 = vector.multi_reduction <minimumf>, %select_n3A_138, %reduce_min3A_139 [1] : vector<512x1024xf32> to vector<512xf32>
      %broadcast_in_dim3A_141 = vector.shape_cast %reduce_min3A_140 : vector<512xf32> to vector<512x1xf32>
      %eq3A_142 = vector.broadcast %broadcast_in_dim3A_141 : vector<512x1xf32> to vector<512x1024xf32>
      %eq3A_143 = arith.cmpf oeq, %add3A_22, %eq3A_142 : vector<512x1024xf32>
      %jit3A_144 = arith.constant 0x7F800000 : f32
      %broadcast_in_dim3A_145 = vector.broadcast %jit3A_144 : f32 to vector<512x1024xf32>
      %select_n3A_146 = arith.select %eq3A_143, %broadcast_in_dim3A_145, %get3A_131 : vector<512x1024xi1>, vector<512x1024xf32>
      %swap3A_147 = arith.constant 0 : index
      %swap3A_148 = arith.constant 0 : index
      %swap3A_149 = vector.load %arg8[%swap3A_147, %swap3A_148] : memref<512x1024xf32, #tpu.memory_space<vmem>>, vector<512x1024xf32>
      tpu.vector_store %arg8[%swap3A_147, %swap3A_148], %select_n3A_146 {strides = array<i32>} : memref<512x1024xf32, #tpu.memory_space<vmem>>, vector<512x1024xf32>,
      %convert_element_type3A_150 = arith.fptosi %broadcast_in_dim3A_141 : vector<512x1xf32> to vector<512x1xi32>
      %get3A_151 = arith.constant 0 : index
      %get3A_152 = arith.constant 0 : index
      %get3A_153 = vector.load %arg6[%get3A_151, %get3A_152] : memref<512x16xf32, #tpu.memory_space<vmem>>, vector<512x16xf32>
      %get3A_154 = arith.constant 0 : index
      %get3A_155 = arith.constant 0 : index
      %get3A_156 = vector.load %arg7[%get3A_154, %get3A_155] : memref<512x16xi32, #tpu.memory_space<vmem>>, vector<512x16xi32>
      %le3A = vector.broadcast %broadcast_in_dim3A_133 : vector<512x1xf32> to vector<512x16xf32>
      %le3A_157 = arith.cmpf ole, %get3A_153, %le3A : vector<512x16xf32>
      %convert_element_type3A_158 = arith.extui %le3A_157 : vector<512x16xi1> to vector<512x16xi32>
      %reduce_sum3A_159 = arith.constant dense<0> : vector<512xi32>
      %reduce_sum3A_160 = vector.multi_reduction <add>, %convert_element_type3A_158, %reduce_sum3A_159 [1] : vector<512x16xi32> to vector<512xi32>
      %broadcast_in_dim3A_161 = vector.shape_cast %reduce_sum3A_160 : vector<512xi32> to vector<512x1xi32>
      %broadcast_in_dim3A_162 = arith.constant 0x7F800000 : f32
      %broadcast_in_dim3A_163 = vector.broadcast %broadcast_in_dim3A_162 : f32 to vector<512x1xf32>
      %slice3A_164 = vector.extract_strided_slice %get3A_153 {offsets = [0, 0], sizes = [512, 15], strides = [1, 1]} : vector<512x16xf32> to vector<512x15xf32>
      %concatenate3A = tpu.concatenate %broadcast_in_dim3A_163, %slice3A_164 in 1 : vector<512x1xf32>, vector<512x15xf32> -> vector<512x16xf32>
      %broadcast_in_dim3A_165 = arith.constant 0 : i32
      %broadcast_in_dim3A_166 = vector.broadcast %broadcast_in_dim3A_165 : i32 to vector<512x1xi32>
      %slice3A_167 = vector.extract_strided_slice %get3A_156 {offsets = [0, 0], sizes = [512, 15], strides = [1, 1]} : vector<512x16xi32> to vector<512x15xi32>
      %concatenate3A_168 = tpu.concatenate %broadcast_in_dim3A_166, %slice3A_167 in 1 : vector<512x1xi32>, vector<512x15xi32> -> vector<512x16xi32>
      %lt3A_169 = vector.broadcast %broadcast_in_dim3A_161 : vector<512x1xi32> to vector<512x16xi32>
      %lt3A_170 = arith.cmpi slt, %iota3A_44, %lt3A_169 : vector<512x16xi32>
      %eq3A_171 = vector.broadcast %broadcast_in_dim3A_161 : vector<512x1xi32> to vector<512x16xi32>
      %eq3A_172 = arith.cmpi eq, %iota3A_44, %eq3A_171 : vector<512x16xi32>
      %broadcast_in_dim3A_173 = vector.shape_cast %broadcast_in_dim3A_133 : vector<512x1xf32> to vector<512x1xf32>
      %broadcast_in_dim3A_174 = vector.broadcast %broadcast_in_dim3A_173 : vector<512x1xf32> to vector<512x16xf32>
      %select_n3A_175 = arith.select %eq3A_172, %broadcast_in_dim3A_174, %concatenate3A : vector<512x16xi1>, vector<512x16xf32>
      %select_n3A_176 = arith.select %lt3A_170, %get3A_153, %select_n3A_175 : vector<512x16xi1>, vector<512x16xf32>
      %swap3A_177 = arith.constant 0 : index
      %swap3A_178 = arith.constant 0 : index
      %swap3A_179 = vector.load %arg6[%swap3A_177, %swap3A_178] : memref<512x16xf32, #tpu.memory_space<vmem>>, vector<512x16xf32>
      tpu.vector_store %arg6[%swap3A_177, %swap3A_178], %select_n3A_176 {strides = array<i32>} : memref<512x16xf32, #tpu.memory_space<vmem>>, vector<512x16xf32>,
      %lt3A_180 = vector.broadcast %broadcast_in_dim3A_161 : vector<512x1xi32> to vector<512x16xi32>
      %lt3A_181 = arith.cmpi slt, %iota3A_44, %lt3A_180 : vector<512x16xi32>
      %eq3A_182 = vector.broadcast %broadcast_in_dim3A_161 : vector<512x1xi32> to vector<512x16xi32>
      %eq3A_183 = arith.cmpi eq, %iota3A_44, %eq3A_182 : vector<512x16xi32>
      %broadcast_in_dim3A_184 = vector.shape_cast %convert_element_type3A_150 : vector<512x1xi32> to vector<512x1xi32>
      %broadcast_in_dim3A_185 = vector.broadcast %broadcast_in_dim3A_184 : vector<512x1xi32> to vector<512x16xi32>
      %select_n3A_186 = arith.select %eq3A_183, %broadcast_in_dim3A_185, %concatenate3A_168 : vector<512x16xi1>, vector<512x16xi32>
      %select_n3A_187 = arith.select %lt3A_181, %get3A_156, %select_n3A_186 : vector<512x16xi1>, vector<512x16xi32>
      %swap3A_188 = arith.constant 0 : index
      %swap3A_189 = arith.constant 0 : index
      %swap3A_190 = vector.load %arg7[%swap3A_188, %swap3A_189] : memref<512x16xi32, #tpu.memory_space<vmem>>, vector<512x16xi32>
      tpu.vector_store %arg7[%swap3A_188, %swap3A_189], %select_n3A_187 {strides = array<i32>} : memref<512x16xi32, #tpu.memory_space<vmem>>, vector<512x16xi32>,
    } else {
    }
    %gt3A_109 = arith.constant 1.300000e+01 : f32
    %gt3A_110 = arith.cmpf ogt, %min3A_43, %gt3A_109 : f32
    %convert_element_type3A_111 = arith.extui %gt3A_110 : i1 to i32
    %cond3A_112 = arith.constant 0 : i32
    %cond3A_113 = arith.cmpi ne, %convert_element_type3A_111, %cond3A_112 : i32
    scf.if %cond3A_113 {
      %get3A_129 = arith.constant 0 : index
      %get3A_130 = arith.constant 0 : index
      %get3A_131 = vector.load %arg8[%get3A_129, %get3A_130] : memref<512x1024xf32, #tpu.memory_space<vmem>>, vector<512x1024xf32>
      %reduce_min3A = arith.constant dense<0x7F800000> : vector<512xf32>
      %reduce_min3A_132 = vector.multi_reduction <minimumf>, %get3A_131, %reduce_min3A [1] : vector<512x1024xf32> to vector<512xf32>
      %broadcast_in_dim3A_133 = vector.shape_cast %reduce_min3A_132 : vector<512xf32> to vector<512x1xf32>
      %eq3A_134 = vector.broadcast %broadcast_in_dim3A_133 : vector<512x1xf32> to vector<512x1024xf32>
      %eq3A_135 = arith.cmpf oeq, %get3A_131, %eq3A_134 : vector<512x1024xf32>
      %jit3A_136 = arith.constant 3.000000e+08 : f32
      %broadcast_in_dim3A_137 = vector.broadcast %jit3A_136 : f32 to vector<512x1024xf32>
      %select_n3A_138 = arith.select %eq3A_135, %add3A_22, %broadcast_in_dim3A_137 : vector<512x1024xi1>, vector<512x1024xf32>
      %reduce_min3A_139 = arith.constant dense<0x7F800000> : vector<512xf32>
      %reduce_min3A_140 = vector.multi_reduction <minimumf>, %select_n3A_138, %reduce_min3A_139 [1] : vector<512x1024xf32> to vector<512xf32>
      %broadcast_in_dim3A_141 = vector.shape_cast %reduce_min3A_140 : vector<512xf32> to vector<512x1xf32>
      %eq3A_142 = vector.broadcast %broadcast_in_dim3A_141 : vector<512x1xf32> to vector<512x1024xf32>
      %eq3A_143 = arith.cmpf oeq, %add3A_22, %eq3A_142 : vector<512x1024xf32>
      %jit3A_144 = arith.constant 0x7F800000 : f32
      %broadcast_in_dim3A_145 = vector.broadcast %jit3A_144 : f32 to vector<512x1024xf32>
      %select_n3A_146 = arith.select %eq3A_143, %broadcast_in_dim3A_145, %get3A_131 : vector<512x1024xi1>, vector<512x1024xf32>
      %swap3A_147 = arith.constant 0 : index
      %swap3A_148 = arith.constant 0 : index
      %swap3A_149 = vector.load %arg8[%swap3A_147, %swap3A_148] : memref<512x1024xf32, #tpu.memory_space<vmem>>, vector<512x1024xf32>
      tpu.vector_store %arg8[%swap3A_147, %swap3A_148], %select_n3A_146 {strides = array<i32>} : memref<512x1024xf32, #tpu.memory_space<vmem>>, vector<512x1024xf32>,
      %convert_element_type3A_150 = arith.fptosi %broadcast_in_dim3A_141 : vector<512x1xf32> to vector<512x1xi32>
      %get3A_151 = arith.constant 0 : index
      %get3A_152 = arith.constant 0 : index
      %get3A_153 = vector.load %arg6[%get3A_151, %get3A_152] : memref<512x16xf32, #tpu.memory_space<vmem>>, vector<512x16xf32>
      %get3A_154 = arith.constant 0 : index
      %get3A_155 = arith.constant 0 : index
      %get3A_156 = vector.load %arg7[%get3A_154, %get3A_155] : memref<512x16xi32, #tpu.memory_space<vmem>>, vector<512x16xi32>
      %le3A = vector.broadcast %broadcast_in_dim3A_133 : vector<512x1xf32> to vector<512x16xf32>
      %le3A_157 = arith.cmpf ole, %get3A_153, %le3A : vector<512x16xf32>
      %convert_element_type3A_158 = arith.extui %le3A_157 : vector<512x16xi1> to vector<512x16xi32>
      %reduce_sum3A_159 = arith.constant dense<0> : vector<512xi32>
      %reduce_sum3A_160 = vector.multi_reduction <add>, %convert_element_type3A_158, %reduce_sum3A_159 [1] : vector<512x16xi32> to vector<512xi32>
      %broadcast_in_dim3A_161 = vector.shape_cast %reduce_sum3A_160 : vector<512xi32> to vector<512x1xi32>
      %broadcast_in_dim3A_162 = arith.constant 0x7F800000 : f32
      %broadcast_in_dim3A_163 = vector.broadcast %broadcast_in_dim3A_162 : f32 to vector<512x1xf32>
      %slice3A_164 = vector.extract_strided_slice %get3A_153 {offsets = [0, 0], sizes = [512, 15], strides = [1, 1]} : vector<512x16xf32> to vector<512x15xf32>
      %concatenate3A = tpu.concatenate %broadcast_in_dim3A_163, %slice3A_164 in 1 : vector<512x1xf32>, vector<512x15xf32> -> vector<512x16xf32>
      %broadcast_in_dim3A_165 = arith.constant 0 : i32
      %broadcast_in_dim3A_166 = vector.broadcast %broadcast_in_dim3A_165 : i32 to vector<512x1xi32>
      %slice3A_167 = vector.extract_strided_slice %get3A_156 {offsets = [0, 0], sizes = [512, 15], strides = [1, 1]} : vector<512x16xi32> to vector<512x15xi32>
      %concatenate3A_168 = tpu.concatenate %broadcast_in_dim3A_166, %slice3A_167 in 1 : vector<512x1xi32>, vector<512x15xi32> -> vector<512x16xi32>
      %lt3A_169 = vector.broadcast %broadcast_in_dim3A_161 : vector<512x1xi32> to vector<512x16xi32>
      %lt3A_170 = arith.cmpi slt, %iota3A_44, %lt3A_169 : vector<512x16xi32>
      %eq3A_171 = vector.broadcast %broadcast_in_dim3A_161 : vector<512x1xi32> to vector<512x16xi32>
      %eq3A_172 = arith.cmpi eq, %iota3A_44, %eq3A_171 : vector<512x16xi32>
      %broadcast_in_dim3A_173 = vector.shape_cast %broadcast_in_dim3A_133 : vector<512x1xf32> to vector<512x1xf32>
      %broadcast_in_dim3A_174 = vector.broadcast %broadcast_in_dim3A_173 : vector<512x1xf32> to vector<512x16xf32>
      %select_n3A_175 = arith.select %eq3A_172, %broadcast_in_dim3A_174, %concatenate3A : vector<512x16xi1>, vector<512x16xf32>
      %select_n3A_176 = arith.select %lt3A_170, %get3A_153, %select_n3A_175 : vector<512x16xi1>, vector<512x16xf32>
      %swap3A_177 = arith.constant 0 : index
      %swap3A_178 = arith.constant 0 : index
      %swap3A_179 = vector.load %arg6[%swap3A_177, %swap3A_178] : memref<512x16xf32, #tpu.memory_space<vmem>>, vector<512x16xf32>
      tpu.vector_store %arg6[%swap3A_177, %swap3A_178], %select_n3A_176 {strides = array<i32>} : memref<512x16xf32, #tpu.memory_space<vmem>>, vector<512x16xf32>,
      %lt3A_180 = vector.broadcast %broadcast_in_dim3A_161 : vector<512x1xi32> to vector<512x16xi32>
      %lt3A_181 = arith.cmpi slt, %iota3A_44, %lt3A_180 : vector<512x16xi32>
      %eq3A_182 = vector.broadcast %broadcast_in_dim3A_161 : vector<512x1xi32> to vector<512x16xi32>
      %eq3A_183 = arith.cmpi eq, %iota3A_44, %eq3A_182 : vector<512x16xi32>
      %broadcast_in_dim3A_184 = vector.shape_cast %convert_element_type3A_150 : vector<512x1xi32> to vector<512x1xi32>
      %broadcast_in_dim3A_185 = vector.broadcast %broadcast_in_dim3A_184 : vector<512x1xi32> to vector<512x16xi32>
      %select_n3A_186 = arith.select %eq3A_183, %broadcast_in_dim3A_185, %concatenate3A_168 : vector<512x16xi1>, vector<512x16xi32>
      %select_n3A_187 = arith.select %lt3A_181, %get3A_156, %select_n3A_186 : vector<512x16xi1>, vector<512x16xi32>
      %swap3A_188 = arith.constant 0 : index
      %swap3A_189 = arith.constant 0 : index
      %swap3A_190 = vector.load %arg7[%swap3A_188, %swap3A_189] : memref<512x16xi32, #tpu.memory_space<vmem>>, vector<512x16xi32>
      tpu.vector_store %arg7[%swap3A_188, %swap3A_189], %select_n3A_187 {strides = array<i32>} : memref<512x16xi32, #tpu.memory_space<vmem>>, vector<512x16xi32>,
    } else {
    }
    %gt3A_114 = arith.constant 1.400000e+01 : f32
    %gt3A_115 = arith.cmpf ogt, %min3A_43, %gt3A_114 : f32
    %convert_element_type3A_116 = arith.extui %gt3A_115 : i1 to i32
    %cond3A_117 = arith.constant 0 : i32
    %cond3A_118 = arith.cmpi ne, %convert_element_type3A_116, %cond3A_117 : i32
    scf.if %cond3A_118 {
      %get3A_129 = arith.constant 0 : index
      %get3A_130 = arith.constant 0 : index
      %get3A_131 = vector.load %arg8[%get3A_129, %get3A_130] : memref<512x1024xf32, #tpu.memory_space<vmem>>, vector<512x1024xf32>
      %reduce_min3A = arith.constant dense<0x7F800000> : vector<512xf32>
      %reduce_min3A_132 = vector.multi_reduction <minimumf>, %get3A_131, %reduce_min3A [1] : vector<512x1024xf32> to vector<512xf32>
      %broadcast_in_dim3A_133 = vector.shape_cast %reduce_min3A_132 : vector<512xf32> to vector<512x1xf32>
      %eq3A_134 = vector.broadcast %broadcast_in_dim3A_133 : vector<512x1xf32> to vector<512x1024xf32>
      %eq3A_135 = arith.cmpf oeq, %get3A_131, %eq3A_134 : vector<512x1024xf32>
      %jit3A_136 = arith.constant 3.000000e+08 : f32
      %broadcast_in_dim3A_137 = vector.broadcast %jit3A_136 : f32 to vector<512x1024xf32>
      %select_n3A_138 = arith.select %eq3A_135, %add3A_22, %broadcast_in_dim3A_137 : vector<512x1024xi1>, vector<512x1024xf32>
      %reduce_min3A_139 = arith.constant dense<0x7F800000> : vector<512xf32>
      %reduce_min3A_140 = vector.multi_reduction <minimumf>, %select_n3A_138, %reduce_min3A_139 [1] : vector<512x1024xf32> to vector<512xf32>
      %broadcast_in_dim3A_141 = vector.shape_cast %reduce_min3A_140 : vector<512xf32> to vector<512x1xf32>
      %eq3A_142 = vector.broadcast %broadcast_in_dim3A_141 : vector<512x1xf32> to vector<512x1024xf32>
      %eq3A_143 = arith.cmpf oeq, %add3A_22, %eq3A_142 : vector<512x1024xf32>
      %jit3A_144 = arith.constant 0x7F800000 : f32
      %broadcast_in_dim3A_145 = vector.broadcast %jit3A_144 : f32 to vector<512x1024xf32>
      %select_n3A_146 = arith.select %eq3A_143, %broadcast_in_dim3A_145, %get3A_131 : vector<512x1024xi1>, vector<512x1024xf32>
      %swap3A_147 = arith.constant 0 : index
      %swap3A_148 = arith.constant 0 : index
      %swap3A_149 = vector.load %arg8[%swap3A_147, %swap3A_148] : memref<512x1024xf32, #tpu.memory_space<vmem>>, vector<512x1024xf32>
      tpu.vector_store %arg8[%swap3A_147, %swap3A_148], %select_n3A_146 {strides = array<i32>} : memref<512x1024xf32, #tpu.memory_space<vmem>>, vector<512x1024xf32>,
      %convert_element_type3A_150 = arith.fptosi %broadcast_in_dim3A_141 : vector<512x1xf32> to vector<512x1xi32>
      %get3A_151 = arith.constant 0 : index
      %get3A_152 = arith.constant 0 : index
      %get3A_153 = vector.load %arg6[%get3A_151, %get3A_152] : memref<512x16xf32, #tpu.memory_space<vmem>>, vector<512x16xf32>
      %get3A_154 = arith.constant 0 : index
      %get3A_155 = arith.constant 0 : index
      %get3A_156 = vector.load %arg7[%get3A_154, %get3A_155] : memref<512x16xi32, #tpu.memory_space<vmem>>, vector<512x16xi32>
      %le3A = vector.broadcast %broadcast_in_dim3A_133 : vector<512x1xf32> to vector<512x16xf32>
      %le3A_157 = arith.cmpf ole, %get3A_153, %le3A : vector<512x16xf32>
      %convert_element_type3A_158 = arith.extui %le3A_157 : vector<512x16xi1> to vector<512x16xi32>
      %reduce_sum3A_159 = arith.constant dense<0> : vector<512xi32>
      %reduce_sum3A_160 = vector.multi_reduction <add>, %convert_element_type3A_158, %reduce_sum3A_159 [1] : vector<512x16xi32> to vector<512xi32>
      %broadcast_in_dim3A_161 = vector.shape_cast %reduce_sum3A_160 : vector<512xi32> to vector<512x1xi32>
      %broadcast_in_dim3A_162 = arith.constant 0x7F800000 : f32
      %broadcast_in_dim3A_163 = vector.broadcast %broadcast_in_dim3A_162 : f32 to vector<512x1xf32>
      %slice3A_164 = vector.extract_strided_slice %get3A_153 {offsets = [0, 0], sizes = [512, 15], strides = [1, 1]} : vector<512x16xf32> to vector<512x15xf32>
      %concatenate3A = tpu.concatenate %broadcast_in_dim3A_163, %slice3A_164 in 1 : vector<512x1xf32>, vector<512x15xf32> -> vector<512x16xf32>
      %broadcast_in_dim3A_165 = arith.constant 0 : i32
      %broadcast_in_dim3A_166 = vector.broadcast %broadcast_in_dim3A_165 : i32 to vector<512x1xi32>
      %slice3A_167 = vector.extract_strided_slice %get3A_156 {offsets = [0, 0], sizes = [512, 15], strides = [1, 1]} : vector<512x16xi32> to vector<512x15xi32>
      %concatenate3A_168 = tpu.concatenate %broadcast_in_dim3A_166, %slice3A_167 in 1 : vector<512x1xi32>, vector<512x15xi32> -> vector<512x16xi32>
      %lt3A_169 = vector.broadcast %broadcast_in_dim3A_161 : vector<512x1xi32> to vector<512x16xi32>
      %lt3A_170 = arith.cmpi slt, %iota3A_44, %lt3A_169 : vector<512x16xi32>
      %eq3A_171 = vector.broadcast %broadcast_in_dim3A_161 : vector<512x1xi32> to vector<512x16xi32>
      %eq3A_172 = arith.cmpi eq, %iota3A_44, %eq3A_171 : vector<512x16xi32>
      %broadcast_in_dim3A_173 = vector.shape_cast %broadcast_in_dim3A_133 : vector<512x1xf32> to vector<512x1xf32>
      %broadcast_in_dim3A_174 = vector.broadcast %broadcast_in_dim3A_173 : vector<512x1xf32> to vector<512x16xf32>
      %select_n3A_175 = arith.select %eq3A_172, %broadcast_in_dim3A_174, %concatenate3A : vector<512x16xi1>, vector<512x16xf32>
      %select_n3A_176 = arith.select %lt3A_170, %get3A_153, %select_n3A_175 : vector<512x16xi1>, vector<512x16xf32>
      %swap3A_177 = arith.constant 0 : index
      %swap3A_178 = arith.constant 0 : index
      %swap3A_179 = vector.load %arg6[%swap3A_177, %swap3A_178] : memref<512x16xf32, #tpu.memory_space<vmem>>, vector<512x16xf32>
      tpu.vector_store %arg6[%swap3A_177, %swap3A_178], %select_n3A_176 {strides = array<i32>} : memref<512x16xf32, #tpu.memory_space<vmem>>, vector<512x16xf32>,
      %lt3A_180 = vector.broadcast %broadcast_in_dim3A_161 : vector<512x1xi32> to vector<512x16xi32>
      %lt3A_181 = arith.cmpi slt, %iota3A_44, %lt3A_180 : vector<512x16xi32>
      %eq3A_182 = vector.broadcast %broadcast_in_dim3A_161 : vector<512x1xi32> to vector<512x16xi32>
      %eq3A_183 = arith.cmpi eq, %iota3A_44, %eq3A_182 : vector<512x16xi32>
      %broadcast_in_dim3A_184 = vector.shape_cast %convert_element_type3A_150 : vector<512x1xi32> to vector<512x1xi32>
      %broadcast_in_dim3A_185 = vector.broadcast %broadcast_in_dim3A_184 : vector<512x1xi32> to vector<512x16xi32>
      %select_n3A_186 = arith.select %eq3A_183, %broadcast_in_dim3A_185, %concatenate3A_168 : vector<512x16xi1>, vector<512x16xi32>
      %select_n3A_187 = arith.select %lt3A_181, %get3A_156, %select_n3A_186 : vector<512x16xi1>, vector<512x16xi32>
      %swap3A_188 = arith.constant 0 : index
      %swap3A_189 = arith.constant 0 : index
      %swap3A_190 = vector.load %arg7[%swap3A_188, %swap3A_189] : memref<512x16xi32, #tpu.memory_space<vmem>>, vector<512x16xi32>
      tpu.vector_store %arg7[%swap3A_188, %swap3A_189], %select_n3A_187 {strides = array<i32>} : memref<512x16xi32, #tpu.memory_space<vmem>>, vector<512x16xi32>,
    } else {
    }
    %gt3A_119 = arith.constant 1.500000e+01 : f32
    %gt3A_120 = arith.cmpf ogt, %min3A_43, %gt3A_119 : f32
    %convert_element_type3A_121 = arith.extui %gt3A_120 : i1 to i32
    %cond3A_122 = arith.constant 0 : i32
    %cond3A_123 = arith.cmpi ne, %convert_element_type3A_121, %cond3A_122 : i32
    scf.if %cond3A_123 {
      %get3A_129 = arith.constant 0 : index
      %get3A_130 = arith.constant 0 : index
      %get3A_131 = vector.load %arg8[%get3A_129, %get3A_130] : memref<512x1024xf32, #tpu.memory_space<vmem>>, vector<512x1024xf32>
      %reduce_min3A = arith.constant dense<0x7F800000> : vector<512xf32>
      %reduce_min3A_132 = vector.multi_reduction <minimumf>, %get3A_131, %reduce_min3A [1] : vector<512x1024xf32> to vector<512xf32>
      %broadcast_in_dim3A_133 = vector.shape_cast %reduce_min3A_132 : vector<512xf32> to vector<512x1xf32>
      %eq3A_134 = vector.broadcast %broadcast_in_dim3A_133 : vector<512x1xf32> to vector<512x1024xf32>
      %eq3A_135 = arith.cmpf oeq, %get3A_131, %eq3A_134 : vector<512x1024xf32>
      %jit3A_136 = arith.constant 3.000000e+08 : f32
      %broadcast_in_dim3A_137 = vector.broadcast %jit3A_136 : f32 to vector<512x1024xf32>
      %select_n3A_138 = arith.select %eq3A_135, %add3A_22, %broadcast_in_dim3A_137 : vector<512x1024xi1>, vector<512x1024xf32>
      %reduce_min3A_139 = arith.constant dense<0x7F800000> : vector<512xf32>
      %reduce_min3A_140 = vector.multi_reduction <minimumf>, %select_n3A_138, %reduce_min3A_139 [1] : vector<512x1024xf32> to vector<512xf32>
      %broadcast_in_dim3A_141 = vector.shape_cast %reduce_min3A_140 : vector<512xf32> to vector<512x1xf32>
      %eq3A_142 = vector.broadcast %broadcast_in_dim3A_141 : vector<512x1xf32> to vector<512x1024xf32>
      %eq3A_143 = arith.cmpf oeq, %add3A_22, %eq3A_142 : vector<512x1024xf32>
      %jit3A_144 = arith.constant 0x7F800000 : f32
      %broadcast_in_dim3A_145 = vector.broadcast %jit3A_144 : f32 to vector<512x1024xf32>
      %select_n3A_146 = arith.select %eq3A_143, %broadcast_in_dim3A_145, %get3A_131 : vector<512x1024xi1>, vector<512x1024xf32>
      %swap3A_147 = arith.constant 0 : index
      %swap3A_148 = arith.constant 0 : index
      %swap3A_149 = vector.load %arg8[%swap3A_147, %swap3A_148] : memref<512x1024xf32, #tpu.memory_space<vmem>>, vector<512x1024xf32>
      tpu.vector_store %arg8[%swap3A_147, %swap3A_148], %select_n3A_146 {strides = array<i32>} : memref<512x1024xf32, #tpu.memory_space<vmem>>, vector<512x1024xf32>,
      %convert_element_type3A_150 = arith.fptosi %broadcast_in_dim3A_141 : vector<512x1xf32> to vector<512x1xi32>
      %get3A_151 = arith.constant 0 : index
      %get3A_152 = arith.constant 0 : index
      %get3A_153 = vector.load %arg6[%get3A_151, %get3A_152] : memref<512x16xf32, #tpu.memory_space<vmem>>, vector<512x16xf32>
      %get3A_154 = arith.constant 0 : index
      %get3A_155 = arith.constant 0 : index
      %get3A_156 = vector.load %arg7[%get3A_154, %get3A_155] : memref<512x16xi32, #tpu.memory_space<vmem>>, vector<512x16xi32>
      %le3A = vector.broadcast %broadcast_in_dim3A_133 : vector<512x1xf32> to vector<512x16xf32>
      %le3A_157 = arith.cmpf ole, %get3A_153, %le3A : vector<512x16xf32>
      %convert_element_type3A_158 = arith.extui %le3A_157 : vector<512x16xi1> to vector<512x16xi32>
      %reduce_sum3A_159 = arith.constant dense<0> : vector<512xi32>
      %reduce_sum3A_160 = vector.multi_reduction <add>, %convert_element_type3A_158, %reduce_sum3A_159 [1] : vector<512x16xi32> to vector<512xi32>
      %broadcast_in_dim3A_161 = vector.shape_cast %reduce_sum3A_160 : vector<512xi32> to vector<512x1xi32>
      %broadcast_in_dim3A_162 = arith.constant 0x7F800000 : f32
      %broadcast_in_dim3A_163 = vector.broadcast %broadcast_in_dim3A_162 : f32 to vector<512x1xf32>
      %slice3A_164 = vector.extract_strided_slice %get3A_153 {offsets = [0, 0], sizes = [512, 15], strides = [1, 1]} : vector<512x16xf32> to vector<512x15xf32>
      %concatenate3A = tpu.concatenate %broadcast_in_dim3A_163, %slice3A_164 in 1 : vector<512x1xf32>, vector<512x15xf32> -> vector<512x16xf32>
      %broadcast_in_dim3A_165 = arith.constant 0 : i32
      %broadcast_in_dim3A_166 = vector.broadcast %broadcast_in_dim3A_165 : i32 to vector<512x1xi32>
      %slice3A_167 = vector.extract_strided_slice %get3A_156 {offsets = [0, 0], sizes = [512, 15], strides = [1, 1]} : vector<512x16xi32> to vector<512x15xi32>
      %concatenate3A_168 = tpu.concatenate %broadcast_in_dim3A_166, %slice3A_167 in 1 : vector<512x1xi32>, vector<512x15xi32> -> vector<512x16xi32>
      %lt3A_169 = vector.broadcast %broadcast_in_dim3A_161 : vector<512x1xi32> to vector<512x16xi32>
      %lt3A_170 = arith.cmpi slt, %iota3A_44, %lt3A_169 : vector<512x16xi32>
      %eq3A_171 = vector.broadcast %broadcast_in_dim3A_161 : vector<512x1xi32> to vector<512x16xi32>
      %eq3A_172 = arith.cmpi eq, %iota3A_44, %eq3A_171 : vector<512x16xi32>
      %broadcast_in_dim3A_173 = vector.shape_cast %broadcast_in_dim3A_133 : vector<512x1xf32> to vector<512x1xf32>
      %broadcast_in_dim3A_174 = vector.broadcast %broadcast_in_dim3A_173 : vector<512x1xf32> to vector<512x16xf32>
      %select_n3A_175 = arith.select %eq3A_172, %broadcast_in_dim3A_174, %concatenate3A : vector<512x16xi1>, vector<512x16xf32>
      %select_n3A_176 = arith.select %lt3A_170, %get3A_153, %select_n3A_175 : vector<512x16xi1>, vector<512x16xf32>
      %swap3A_177 = arith.constant 0 : index
      %swap3A_178 = arith.constant 0 : index
      %swap3A_179 = vector.load %arg6[%swap3A_177, %swap3A_178] : memref<512x16xf32, #tpu.memory_space<vmem>>, vector<512x16xf32>
      tpu.vector_store %arg6[%swap3A_177, %swap3A_178], %select_n3A_176 {strides = array<i32>} : memref<512x16xf32, #tpu.memory_space<vmem>>, vector<512x16xf32>,
      %lt3A_180 = vector.broadcast %broadcast_in_dim3A_161 : vector<512x1xi32> to vector<512x16xi32>
      %lt3A_181 = arith.cmpi slt, %iota3A_44, %lt3A_180 : vector<512x16xi32>
      %eq3A_182 = vector.broadcast %broadcast_in_dim3A_161 : vector<512x1xi32> to vector<512x16xi32>
      %eq3A_183 = arith.cmpi eq, %iota3A_44, %eq3A_182 : vector<512x16xi32>
      %broadcast_in_dim3A_184 = vector.shape_cast %convert_element_type3A_150 : vector<512x1xi32> to vector<512x1xi32>
      %broadcast_in_dim3A_185 = vector.broadcast %broadcast_in_dim3A_184 : vector<512x1xi32> to vector<512x16xi32>
      %select_n3A_186 = arith.select %eq3A_183, %broadcast_in_dim3A_185, %concatenate3A_168 : vector<512x16xi1>, vector<512x16xi32>
      %select_n3A_187 = arith.select %lt3A_181, %get3A_156, %select_n3A_186 : vector<512x16xi1>, vector<512x16xi32>
      %swap3A_188 = arith.constant 0 : index
      %swap3A_189 = arith.constant 0 : index
      %swap3A_190 = vector.load %arg7[%swap3A_188, %swap3A_189] : memref<512x16xi32, #tpu.memory_space<vmem>>, vector<512x16xi32>
      tpu.vector_store %arg7[%swap3A_188, %swap3A_189], %select_n3A_187 {strides = array<i32>} : memref<512x16xi32, #tpu.memory_space<vmem>>, vector<512x16xi32>,
    } else {
    }
    %eq3A_124 = arith.constant 97 : i32
    %eq3A_125 = arith.cmpi eq, %arg1, %eq3A_124 : i32
    %convert_element_type3A_126 = arith.extui %eq3A_125 : i1 to i32
    %cond3A_127 = arith.constant 0 : i32
    %cond3A_128 = arith.cmpi ne, %convert_element_type3A_126, %cond3A_127 : i32
    scf.if %cond3A_128 {
      %get3A_129 = arith.constant 0 : index
      %get3A_130 = arith.constant 0 : index
      %get3A_131 = vector.load %arg6[%get3A_129, %get3A_130] : memref<512x16xf32, #tpu.memory_space<vmem>>, vector<512x16xf32>
      %swap3A_132 = arith.constant 0 : index
      %swap3A_133 = arith.constant 0 : index
      %swap3A_134 = vector.load %arg4[%swap3A_132, %swap3A_133] : memref<512x16xf32, #tpu.memory_space<vmem>>, vector<512x16xf32>
      tpu.vector_store %arg4[%swap3A_132, %swap3A_133], %get3A_131 {strides = array<i32>} : memref<512x16xf32, #tpu.memory_space<vmem>>, vector<512x16xf32>,
      %get3A_135 = arith.constant 0 : index
      %get3A_136 = arith.constant 0 : index
      %get3A_137 = vector.load %arg7[%get3A_135, %get3A_136] : memref<512x16xi32, #tpu.memory_space<vmem>>, vector<512x16xi32>
      %swap3A_138 = arith.constant 0 : index
      %swap3A_139 = arith.constant 0 : index
      %swap3A_140 = vector.load %arg5[%swap3A_138, %swap3A_139] : memref<512x16xi32, #tpu.memory_space<vmem>>, vector<512x16xi32>
      tpu.vector_store %arg5[%swap3A_138, %swap3A_139], %get3A_137 {strides = array<i32>} : memref<512x16xi32, #tpu.memory_space<vmem>>, vector<512x16xi32>,
    } else {
    }
    return
  }
  func.func @transform_0(%arg0: i32, %arg1: i32) -> (i32, i32) {
    %c0_i32 = arith.constant 0 : i32
    %c0_i32_0 = arith.constant 0 : i32
    return %arg0, %c0_i32 : i32, i32
  }
  func.func @transform_1(%arg0: i32, %arg1: i32) -> (i32, i32) {
    %c0_i32 = arith.constant 0 : i32
    %c0_i32_0 = arith.constant 0 : i32
    return %c0_i32, %arg1 : i32, i32
  }
  func.func @transform_2(%arg0: i32, %arg1: i32) -> (i32, i32) {
    %c0_i32 = arith.constant 0 : i32
    %c0_i32_0 = arith.constant 0 : i32
    return %arg0, %c0_i32 : i32, i32
  }
  func.func @transform_3(%arg0: i32, %arg1: i32) -> (i32, i32) {
    %c0_i32 = arith.constant 0 : i32
    %c0_i32_0 = arith.constant 0 : i32
    return %arg0, %c0_i32 : i32, i32
  }
}

module attributes {stable_mosaic.version = 14 : i64} {
  func.func @_vote_body(%arg0: memref<1024x16xf32, #tpu.memory_space<vmem>>, %arg1: memref<1024x16xi32, #tpu.memory_space<vmem>>, %arg2: memref<1024x1xi32, #tpu.memory_space<vmem>>, %arg3: memref<1024x10xf32, #tpu.memory_space<vmem>>) attributes {dimension_semantics = [], scalar_prefetch = 0 : i64, scratch_operands = 0 : i64, tpu.core_type = #tpu.core_type<tc>} {
    %get3A = arith.constant 0 : index
    %get3A_0 = arith.constant 0 : index
    %get3A_1 = vector.load %arg0[%get3A, %get3A_0] : memref<1024x16xf32, #tpu.memory_space<vmem>>, vector<1024x16xf32>
    %get3A_2 = arith.constant 0 : index
    %get3A_3 = arith.constant 0 : index
    %get3A_4 = vector.load %arg1[%get3A_2, %get3A_3] : memref<1024x16xi32, #tpu.memory_space<vmem>>, vector<1024x16xi32>
    %div3A = arith.constant 1.000000e+00 : f32
    %div3A_5 = vector.broadcast %div3A : f32 to vector<1024x16xf32>
    %div3A_6 = arith.divf %div3A_5, %get3A_1 : vector<1024x16xf32>
    %iota3A = tpu.iota {dimensions = array<i32: 1>} : vector<1024x10xi32>
    %broadcast_in_dim3A = arith.constant 0.000000e+00 : f32
    %broadcast_in_dim3A_7 = vector.broadcast %broadcast_in_dim3A : f32 to vector<1024x10xf32>
    %slice3A = vector.extract_strided_slice %get3A_4 {offsets = [0, 0], sizes = [1024, 1], strides = [1, 1]} : vector<1024x16xi32> to vector<1024x1xi32>
    %eq3A = vector.broadcast %slice3A : vector<1024x1xi32> to vector<1024x10xi32>
    %eq3A_8 = arith.cmpi eq, %iota3A, %eq3A : vector<1024x10xi32>
    %slice3A_9 = vector.extract_strided_slice %div3A_6 {offsets = [0, 0], sizes = [1024, 1], strides = [1, 1]} : vector<1024x16xf32> to vector<1024x1xf32>
    %jit3A = arith.constant 0.000000e+00 : f32
    %broadcast_in_dim3A_10 = vector.shape_cast %slice3A_9 : vector<1024x1xf32> to vector<1024x1xf32>
    %broadcast_in_dim3A_11 = vector.broadcast %broadcast_in_dim3A_10 : vector<1024x1xf32> to vector<1024x10xf32>
    %broadcast_in_dim3A_12 = vector.broadcast %jit3A : f32 to vector<1024x10xf32>
    %select_n3A = arith.select %eq3A_8, %broadcast_in_dim3A_11, %broadcast_in_dim3A_12 : vector<1024x10xi1>, vector<1024x10xf32>
    %add3A = arith.addf %broadcast_in_dim3A_7, %select_n3A : vector<1024x10xf32>
    %slice3A_13 = vector.extract_strided_slice %get3A_4 {offsets = [0, 1], sizes = [1024, 1], strides = [1, 1]} : vector<1024x16xi32> to vector<1024x1xi32>
    %eq3A_14 = vector.broadcast %slice3A_13 : vector<1024x1xi32> to vector<1024x10xi32>
    %eq3A_15 = arith.cmpi eq, %iota3A, %eq3A_14 : vector<1024x10xi32>
    %slice3A_16 = vector.extract_strided_slice %div3A_6 {offsets = [0, 1], sizes = [1024, 1], strides = [1, 1]} : vector<1024x16xf32> to vector<1024x1xf32>
    %jit3A_17 = arith.constant 0.000000e+00 : f32
    %broadcast_in_dim3A_18 = vector.shape_cast %slice3A_16 : vector<1024x1xf32> to vector<1024x1xf32>
    %broadcast_in_dim3A_19 = vector.broadcast %broadcast_in_dim3A_18 : vector<1024x1xf32> to vector<1024x10xf32>
    %broadcast_in_dim3A_20 = vector.broadcast %jit3A_17 : f32 to vector<1024x10xf32>
    %select_n3A_21 = arith.select %eq3A_15, %broadcast_in_dim3A_19, %broadcast_in_dim3A_20 : vector<1024x10xi1>, vector<1024x10xf32>
    %add3A_22 = arith.addf %add3A, %select_n3A_21 : vector<1024x10xf32>
    %slice3A_23 = vector.extract_strided_slice %get3A_4 {offsets = [0, 2], sizes = [1024, 1], strides = [1, 1]} : vector<1024x16xi32> to vector<1024x1xi32>
    %eq3A_24 = vector.broadcast %slice3A_23 : vector<1024x1xi32> to vector<1024x10xi32>
    %eq3A_25 = arith.cmpi eq, %iota3A, %eq3A_24 : vector<1024x10xi32>
    %slice3A_26 = vector.extract_strided_slice %div3A_6 {offsets = [0, 2], sizes = [1024, 1], strides = [1, 1]} : vector<1024x16xf32> to vector<1024x1xf32>
    %jit3A_27 = arith.constant 0.000000e+00 : f32
    %broadcast_in_dim3A_28 = vector.shape_cast %slice3A_26 : vector<1024x1xf32> to vector<1024x1xf32>
    %broadcast_in_dim3A_29 = vector.broadcast %broadcast_in_dim3A_28 : vector<1024x1xf32> to vector<1024x10xf32>
    %broadcast_in_dim3A_30 = vector.broadcast %jit3A_27 : f32 to vector<1024x10xf32>
    %select_n3A_31 = arith.select %eq3A_25, %broadcast_in_dim3A_29, %broadcast_in_dim3A_30 : vector<1024x10xi1>, vector<1024x10xf32>
    %add3A_32 = arith.addf %add3A_22, %select_n3A_31 : vector<1024x10xf32>
    %slice3A_33 = vector.extract_strided_slice %get3A_4 {offsets = [0, 3], sizes = [1024, 1], strides = [1, 1]} : vector<1024x16xi32> to vector<1024x1xi32>
    %eq3A_34 = vector.broadcast %slice3A_33 : vector<1024x1xi32> to vector<1024x10xi32>
    %eq3A_35 = arith.cmpi eq, %iota3A, %eq3A_34 : vector<1024x10xi32>
    %slice3A_36 = vector.extract_strided_slice %div3A_6 {offsets = [0, 3], sizes = [1024, 1], strides = [1, 1]} : vector<1024x16xf32> to vector<1024x1xf32>
    %jit3A_37 = arith.constant 0.000000e+00 : f32
    %broadcast_in_dim3A_38 = vector.shape_cast %slice3A_36 : vector<1024x1xf32> to vector<1024x1xf32>
    %broadcast_in_dim3A_39 = vector.broadcast %broadcast_in_dim3A_38 : vector<1024x1xf32> to vector<1024x10xf32>
    %broadcast_in_dim3A_40 = vector.broadcast %jit3A_37 : f32 to vector<1024x10xf32>
    %select_n3A_41 = arith.select %eq3A_35, %broadcast_in_dim3A_39, %broadcast_in_dim3A_40 : vector<1024x10xi1>, vector<1024x10xf32>
    %add3A_42 = arith.addf %add3A_32, %select_n3A_41 : vector<1024x10xf32>
    %slice3A_43 = vector.extract_strided_slice %get3A_4 {offsets = [0, 4], sizes = [1024, 1], strides = [1, 1]} : vector<1024x16xi32> to vector<1024x1xi32>
    %eq3A_44 = vector.broadcast %slice3A_43 : vector<1024x1xi32> to vector<1024x10xi32>
    %eq3A_45 = arith.cmpi eq, %iota3A, %eq3A_44 : vector<1024x10xi32>
    %slice3A_46 = vector.extract_strided_slice %div3A_6 {offsets = [0, 4], sizes = [1024, 1], strides = [1, 1]} : vector<1024x16xf32> to vector<1024x1xf32>
    %jit3A_47 = arith.constant 0.000000e+00 : f32
    %broadcast_in_dim3A_48 = vector.shape_cast %slice3A_46 : vector<1024x1xf32> to vector<1024x1xf32>
    %broadcast_in_dim3A_49 = vector.broadcast %broadcast_in_dim3A_48 : vector<1024x1xf32> to vector<1024x10xf32>
    %broadcast_in_dim3A_50 = vector.broadcast %jit3A_47 : f32 to vector<1024x10xf32>
    %select_n3A_51 = arith.select %eq3A_45, %broadcast_in_dim3A_49, %broadcast_in_dim3A_50 : vector<1024x10xi1>, vector<1024x10xf32>
    %add3A_52 = arith.addf %add3A_42, %select_n3A_51 : vector<1024x10xf32>
    %slice3A_53 = vector.extract_strided_slice %get3A_4 {offsets = [0, 5], sizes = [1024, 1], strides = [1, 1]} : vector<1024x16xi32> to vector<1024x1xi32>
    %eq3A_54 = vector.broadcast %slice3A_53 : vector<1024x1xi32> to vector<1024x10xi32>
    %eq3A_55 = arith.cmpi eq, %iota3A, %eq3A_54 : vector<1024x10xi32>
    %slice3A_56 = vector.extract_strided_slice %div3A_6 {offsets = [0, 5], sizes = [1024, 1], strides = [1, 1]} : vector<1024x16xf32> to vector<1024x1xf32>
    %jit3A_57 = arith.constant 0.000000e+00 : f32
    %broadcast_in_dim3A_58 = vector.shape_cast %slice3A_56 : vector<1024x1xf32> to vector<1024x1xf32>
    %broadcast_in_dim3A_59 = vector.broadcast %broadcast_in_dim3A_58 : vector<1024x1xf32> to vector<1024x10xf32>
    %broadcast_in_dim3A_60 = vector.broadcast %jit3A_57 : f32 to vector<1024x10xf32>
    %select_n3A_61 = arith.select %eq3A_55, %broadcast_in_dim3A_59, %broadcast_in_dim3A_60 : vector<1024x10xi1>, vector<1024x10xf32>
    %add3A_62 = arith.addf %add3A_52, %select_n3A_61 : vector<1024x10xf32>
    %slice3A_63 = vector.extract_strided_slice %get3A_4 {offsets = [0, 6], sizes = [1024, 1], strides = [1, 1]} : vector<1024x16xi32> to vector<1024x1xi32>
    %eq3A_64 = vector.broadcast %slice3A_63 : vector<1024x1xi32> to vector<1024x10xi32>
    %eq3A_65 = arith.cmpi eq, %iota3A, %eq3A_64 : vector<1024x10xi32>
    %slice3A_66 = vector.extract_strided_slice %div3A_6 {offsets = [0, 6], sizes = [1024, 1], strides = [1, 1]} : vector<1024x16xf32> to vector<1024x1xf32>
    %jit3A_67 = arith.constant 0.000000e+00 : f32
    %broadcast_in_dim3A_68 = vector.shape_cast %slice3A_66 : vector<1024x1xf32> to vector<1024x1xf32>
    %broadcast_in_dim3A_69 = vector.broadcast %broadcast_in_dim3A_68 : vector<1024x1xf32> to vector<1024x10xf32>
    %broadcast_in_dim3A_70 = vector.broadcast %jit3A_67 : f32 to vector<1024x10xf32>
    %select_n3A_71 = arith.select %eq3A_65, %broadcast_in_dim3A_69, %broadcast_in_dim3A_70 : vector<1024x10xi1>, vector<1024x10xf32>
    %add3A_72 = arith.addf %add3A_62, %select_n3A_71 : vector<1024x10xf32>
    %slice3A_73 = vector.extract_strided_slice %get3A_4 {offsets = [0, 7], sizes = [1024, 1], strides = [1, 1]} : vector<1024x16xi32> to vector<1024x1xi32>
    %eq3A_74 = vector.broadcast %slice3A_73 : vector<1024x1xi32> to vector<1024x10xi32>
    %eq3A_75 = arith.cmpi eq, %iota3A, %eq3A_74 : vector<1024x10xi32>
    %slice3A_76 = vector.extract_strided_slice %div3A_6 {offsets = [0, 7], sizes = [1024, 1], strides = [1, 1]} : vector<1024x16xf32> to vector<1024x1xf32>
    %jit3A_77 = arith.constant 0.000000e+00 : f32
    %broadcast_in_dim3A_78 = vector.shape_cast %slice3A_76 : vector<1024x1xf32> to vector<1024x1xf32>
    %broadcast_in_dim3A_79 = vector.broadcast %broadcast_in_dim3A_78 : vector<1024x1xf32> to vector<1024x10xf32>
    %broadcast_in_dim3A_80 = vector.broadcast %jit3A_77 : f32 to vector<1024x10xf32>
    %select_n3A_81 = arith.select %eq3A_75, %broadcast_in_dim3A_79, %broadcast_in_dim3A_80 : vector<1024x10xi1>, vector<1024x10xf32>
    %add3A_82 = arith.addf %add3A_72, %select_n3A_81 : vector<1024x10xf32>
    %slice3A_83 = vector.extract_strided_slice %get3A_4 {offsets = [0, 8], sizes = [1024, 1], strides = [1, 1]} : vector<1024x16xi32> to vector<1024x1xi32>
    %eq3A_84 = vector.broadcast %slice3A_83 : vector<1024x1xi32> to vector<1024x10xi32>
    %eq3A_85 = arith.cmpi eq, %iota3A, %eq3A_84 : vector<1024x10xi32>
    %slice3A_86 = vector.extract_strided_slice %div3A_6 {offsets = [0, 8], sizes = [1024, 1], strides = [1, 1]} : vector<1024x16xf32> to vector<1024x1xf32>
    %jit3A_87 = arith.constant 0.000000e+00 : f32
    %broadcast_in_dim3A_88 = vector.shape_cast %slice3A_86 : vector<1024x1xf32> to vector<1024x1xf32>
    %broadcast_in_dim3A_89 = vector.broadcast %broadcast_in_dim3A_88 : vector<1024x1xf32> to vector<1024x10xf32>
    %broadcast_in_dim3A_90 = vector.broadcast %jit3A_87 : f32 to vector<1024x10xf32>
    %select_n3A_91 = arith.select %eq3A_85, %broadcast_in_dim3A_89, %broadcast_in_dim3A_90 : vector<1024x10xi1>, vector<1024x10xf32>
    %add3A_92 = arith.addf %add3A_82, %select_n3A_91 : vector<1024x10xf32>
    %slice3A_93 = vector.extract_strided_slice %get3A_4 {offsets = [0, 9], sizes = [1024, 1], strides = [1, 1]} : vector<1024x16xi32> to vector<1024x1xi32>
    %eq3A_94 = vector.broadcast %slice3A_93 : vector<1024x1xi32> to vector<1024x10xi32>
    %eq3A_95 = arith.cmpi eq, %iota3A, %eq3A_94 : vector<1024x10xi32>
    %slice3A_96 = vector.extract_strided_slice %div3A_6 {offsets = [0, 9], sizes = [1024, 1], strides = [1, 1]} : vector<1024x16xf32> to vector<1024x1xf32>
    %jit3A_97 = arith.constant 0.000000e+00 : f32
    %broadcast_in_dim3A_98 = vector.shape_cast %slice3A_96 : vector<1024x1xf32> to vector<1024x1xf32>
    %broadcast_in_dim3A_99 = vector.broadcast %broadcast_in_dim3A_98 : vector<1024x1xf32> to vector<1024x10xf32>
    %broadcast_in_dim3A_100 = vector.broadcast %jit3A_97 : f32 to vector<1024x10xf32>
    %select_n3A_101 = arith.select %eq3A_95, %broadcast_in_dim3A_99, %broadcast_in_dim3A_100 : vector<1024x10xi1>, vector<1024x10xf32>
    %add3A_102 = arith.addf %add3A_92, %select_n3A_101 : vector<1024x10xf32>
    %slice3A_103 = vector.extract_strided_slice %get3A_4 {offsets = [0, 10], sizes = [1024, 1], strides = [1, 1]} : vector<1024x16xi32> to vector<1024x1xi32>
    %eq3A_104 = vector.broadcast %slice3A_103 : vector<1024x1xi32> to vector<1024x10xi32>
    %eq3A_105 = arith.cmpi eq, %iota3A, %eq3A_104 : vector<1024x10xi32>
    %slice3A_106 = vector.extract_strided_slice %div3A_6 {offsets = [0, 10], sizes = [1024, 1], strides = [1, 1]} : vector<1024x16xf32> to vector<1024x1xf32>
    %jit3A_107 = arith.constant 0.000000e+00 : f32
    %broadcast_in_dim3A_108 = vector.shape_cast %slice3A_106 : vector<1024x1xf32> to vector<1024x1xf32>
    %broadcast_in_dim3A_109 = vector.broadcast %broadcast_in_dim3A_108 : vector<1024x1xf32> to vector<1024x10xf32>
    %broadcast_in_dim3A_110 = vector.broadcast %jit3A_107 : f32 to vector<1024x10xf32>
    %select_n3A_111 = arith.select %eq3A_105, %broadcast_in_dim3A_109, %broadcast_in_dim3A_110 : vector<1024x10xi1>, vector<1024x10xf32>
    %add3A_112 = arith.addf %add3A_102, %select_n3A_111 : vector<1024x10xf32>
    %slice3A_113 = vector.extract_strided_slice %get3A_4 {offsets = [0, 11], sizes = [1024, 1], strides = [1, 1]} : vector<1024x16xi32> to vector<1024x1xi32>
    %eq3A_114 = vector.broadcast %slice3A_113 : vector<1024x1xi32> to vector<1024x10xi32>
    %eq3A_115 = arith.cmpi eq, %iota3A, %eq3A_114 : vector<1024x10xi32>
    %slice3A_116 = vector.extract_strided_slice %div3A_6 {offsets = [0, 11], sizes = [1024, 1], strides = [1, 1]} : vector<1024x16xf32> to vector<1024x1xf32>
    %jit3A_117 = arith.constant 0.000000e+00 : f32
    %broadcast_in_dim3A_118 = vector.shape_cast %slice3A_116 : vector<1024x1xf32> to vector<1024x1xf32>
    %broadcast_in_dim3A_119 = vector.broadcast %broadcast_in_dim3A_118 : vector<1024x1xf32> to vector<1024x10xf32>
    %broadcast_in_dim3A_120 = vector.broadcast %jit3A_117 : f32 to vector<1024x10xf32>
    %select_n3A_121 = arith.select %eq3A_115, %broadcast_in_dim3A_119, %broadcast_in_dim3A_120 : vector<1024x10xi1>, vector<1024x10xf32>
    %add3A_122 = arith.addf %add3A_112, %select_n3A_121 : vector<1024x10xf32>
    %slice3A_123 = vector.extract_strided_slice %get3A_4 {offsets = [0, 12], sizes = [1024, 1], strides = [1, 1]} : vector<1024x16xi32> to vector<1024x1xi32>
    %eq3A_124 = vector.broadcast %slice3A_123 : vector<1024x1xi32> to vector<1024x10xi32>
    %eq3A_125 = arith.cmpi eq, %iota3A, %eq3A_124 : vector<1024x10xi32>
    %slice3A_126 = vector.extract_strided_slice %div3A_6 {offsets = [0, 12], sizes = [1024, 1], strides = [1, 1]} : vector<1024x16xf32> to vector<1024x1xf32>
    %jit3A_127 = arith.constant 0.000000e+00 : f32
    %broadcast_in_dim3A_128 = vector.shape_cast %slice3A_126 : vector<1024x1xf32> to vector<1024x1xf32>
    %broadcast_in_dim3A_129 = vector.broadcast %broadcast_in_dim3A_128 : vector<1024x1xf32> to vector<1024x10xf32>
    %broadcast_in_dim3A_130 = vector.broadcast %jit3A_127 : f32 to vector<1024x10xf32>
    %select_n3A_131 = arith.select %eq3A_125, %broadcast_in_dim3A_129, %broadcast_in_dim3A_130 : vector<1024x10xi1>, vector<1024x10xf32>
    %add3A_132 = arith.addf %add3A_122, %select_n3A_131 : vector<1024x10xf32>
    %slice3A_133 = vector.extract_strided_slice %get3A_4 {offsets = [0, 13], sizes = [1024, 1], strides = [1, 1]} : vector<1024x16xi32> to vector<1024x1xi32>
    %eq3A_134 = vector.broadcast %slice3A_133 : vector<1024x1xi32> to vector<1024x10xi32>
    %eq3A_135 = arith.cmpi eq, %iota3A, %eq3A_134 : vector<1024x10xi32>
    %slice3A_136 = vector.extract_strided_slice %div3A_6 {offsets = [0, 13], sizes = [1024, 1], strides = [1, 1]} : vector<1024x16xf32> to vector<1024x1xf32>
    %jit3A_137 = arith.constant 0.000000e+00 : f32
    %broadcast_in_dim3A_138 = vector.shape_cast %slice3A_136 : vector<1024x1xf32> to vector<1024x1xf32>
    %broadcast_in_dim3A_139 = vector.broadcast %broadcast_in_dim3A_138 : vector<1024x1xf32> to vector<1024x10xf32>
    %broadcast_in_dim3A_140 = vector.broadcast %jit3A_137 : f32 to vector<1024x10xf32>
    %select_n3A_141 = arith.select %eq3A_135, %broadcast_in_dim3A_139, %broadcast_in_dim3A_140 : vector<1024x10xi1>, vector<1024x10xf32>
    %add3A_142 = arith.addf %add3A_132, %select_n3A_141 : vector<1024x10xf32>
    %slice3A_143 = vector.extract_strided_slice %get3A_4 {offsets = [0, 14], sizes = [1024, 1], strides = [1, 1]} : vector<1024x16xi32> to vector<1024x1xi32>
    %eq3A_144 = vector.broadcast %slice3A_143 : vector<1024x1xi32> to vector<1024x10xi32>
    %eq3A_145 = arith.cmpi eq, %iota3A, %eq3A_144 : vector<1024x10xi32>
    %slice3A_146 = vector.extract_strided_slice %div3A_6 {offsets = [0, 14], sizes = [1024, 1], strides = [1, 1]} : vector<1024x16xf32> to vector<1024x1xf32>
    %jit3A_147 = arith.constant 0.000000e+00 : f32
    %broadcast_in_dim3A_148 = vector.shape_cast %slice3A_146 : vector<1024x1xf32> to vector<1024x1xf32>
    %broadcast_in_dim3A_149 = vector.broadcast %broadcast_in_dim3A_148 : vector<1024x1xf32> to vector<1024x10xf32>
    %broadcast_in_dim3A_150 = vector.broadcast %jit3A_147 : f32 to vector<1024x10xf32>
    %select_n3A_151 = arith.select %eq3A_145, %broadcast_in_dim3A_149, %broadcast_in_dim3A_150 : vector<1024x10xi1>, vector<1024x10xf32>
    %add3A_152 = arith.addf %add3A_142, %select_n3A_151 : vector<1024x10xf32>
    %slice3A_153 = vector.extract_strided_slice %get3A_4 {offsets = [0, 15], sizes = [1024, 1], strides = [1, 1]} : vector<1024x16xi32> to vector<1024x1xi32>
    %eq3A_154 = vector.broadcast %slice3A_153 : vector<1024x1xi32> to vector<1024x10xi32>
    %eq3A_155 = arith.cmpi eq, %iota3A, %eq3A_154 : vector<1024x10xi32>
    %slice3A_156 = vector.extract_strided_slice %div3A_6 {offsets = [0, 15], sizes = [1024, 1], strides = [1, 1]} : vector<1024x16xf32> to vector<1024x1xf32>
    %jit3A_157 = arith.constant 0.000000e+00 : f32
    %broadcast_in_dim3A_158 = vector.shape_cast %slice3A_156 : vector<1024x1xf32> to vector<1024x1xf32>
    %broadcast_in_dim3A_159 = vector.broadcast %broadcast_in_dim3A_158 : vector<1024x1xf32> to vector<1024x10xf32>
    %broadcast_in_dim3A_160 = vector.broadcast %jit3A_157 : f32 to vector<1024x10xf32>
    %select_n3A_161 = arith.select %eq3A_155, %broadcast_in_dim3A_159, %broadcast_in_dim3A_160 : vector<1024x10xi1>, vector<1024x10xf32>
    %add3A_162 = arith.addf %add3A_152, %select_n3A_161 : vector<1024x10xf32>
    %reduce_sum3A = arith.constant dense<0.000000e+00> : vector<1024xf32>
    %reduce_sum3A_163 = vector.multi_reduction <add>, %add3A_162, %reduce_sum3A [1] : vector<1024x10xf32> to vector<1024xf32>
    %broadcast_in_dim3A_164 = vector.shape_cast %reduce_sum3A_163 : vector<1024xf32> to vector<1024x1xf32>
    %eq3A_165 = arith.constant 0.000000e+00 : f32
    %eq3A_166 = vector.broadcast %eq3A_165 : f32 to vector<1024x1xf32>
    %eq3A_167 = arith.cmpf oeq, %broadcast_in_dim3A_164, %eq3A_166 : vector<1024x1xf32>
    %jit3A_168 = arith.constant 1.000000e+00 : f32
    %broadcast_in_dim3A_169 = vector.broadcast %jit3A_168 : f32 to vector<1024x1xf32>
    %select_n3A_170 = arith.select %eq3A_167, %broadcast_in_dim3A_169, %broadcast_in_dim3A_164 : vector<1024x1xi1>, vector<1024x1xf32>
    %div3A_171 = vector.broadcast %select_n3A_170 : vector<1024x1xf32> to vector<1024x10xf32>
    %div3A_172 = arith.divf %add3A_162, %div3A_171 : vector<1024x10xf32>
    %swap3A = arith.constant 0 : index
    %swap3A_173 = arith.constant 0 : index
    %swap3A_174 = vector.load %arg3[%swap3A, %swap3A_173] : memref<1024x10xf32, #tpu.memory_space<vmem>>, vector<1024x10xf32>
    tpu.vector_store %arg3[%swap3A, %swap3A_173], %div3A_172 {strides = array<i32>} : memref<1024x10xf32, #tpu.memory_space<vmem>>, vector<1024x10xf32>,
    %reduce_max3A = arith.constant dense<0xFF800000> : vector<1024xf32>
    %reduce_max3A_175 = vector.multi_reduction <maximumf>, %div3A_172, %reduce_max3A [1] : vector<1024x10xf32> to vector<1024xf32>
    %broadcast_in_dim3A_176 = vector.shape_cast %reduce_max3A_175 : vector<1024xf32> to vector<1024x1xf32>
    %eq3A_177 = vector.broadcast %broadcast_in_dim3A_176 : vector<1024x1xf32> to vector<1024x10xf32>
    %eq3A_178 = arith.cmpf oeq, %div3A_172, %eq3A_177 : vector<1024x10xf32>
    %jit3A_179 = arith.constant 10 : i32
    %broadcast_in_dim3A_180 = vector.broadcast %jit3A_179 : i32 to vector<1024x10xi32>
    %select_n3A_181 = arith.select %eq3A_178, %iota3A, %broadcast_in_dim3A_180 : vector<1024x10xi1>, vector<1024x10xi32>
    %reduce_min3A = arith.constant dense<2147483647> : vector<1024xi32>
    %reduce_min3A_182 = vector.multi_reduction <minsi>, %select_n3A_181, %reduce_min3A [1] : vector<1024x10xi32> to vector<1024xi32>
    %broadcast_in_dim3A_183 = vector.shape_cast %reduce_min3A_182 : vector<1024xi32> to vector<1024x1xi32>
    %swap3A_184 = arith.constant 0 : index
    %swap3A_185 = arith.constant 0 : index
    %swap3A_186 = vector.load %arg2[%swap3A_184, %swap3A_185] : memref<1024x1xi32, #tpu.memory_space<vmem>>, vector<1024x1xi32>
    tpu.vector_store %arg2[%swap3A_184, %swap3A_185], %broadcast_in_dim3A_183 {strides = array<i32>} : memref<1024x1xi32, #tpu.memory_space<vmem>>, vector<1024x1xi32>,
    return
  }
}

</mosaic_0001>

<sc_bundles>
// kernel: kernel.5.cloned.1.call-start
scs
__scs_entry_jumppad:
0x0: {  	(pc) =	sbr.rel $0x88, $3  }
0x1: {  	(tag) =	ssettag $0x0;
	lr =	simm.s32 $0x1  }
0x2: {  	[smem:$0x3F9E] =	sst lr;
	_ =	strace $0xD0000000  }
0x3: {  	_ = 	snop  }
0x4: {  	_ = 	snop  }
0x5: {  	_ = 	snop  }
0x6: {  	_ = 	snop  }
0x7: {  	_ = 	snop  }
__scs_overlays_trampoline_lowered:
0x8: {  	[smem:$0x3FAD] =	sst s0  }
0x9: {  	[smem:$0x3FAE] =	sst s1  }
0xa: {  	[smem:$0x3FAF] =	sst s2  }
0xb: {  	[smem:$0x3FB0] =	sst s3  }
0xc: {  	[smem:$0x3FB1] =	sst s4  }
0xd: {  	[smem:$0x3FB2] =	sst s5  }
0xe: {  	[smem:$0x3FB3] =	sst s6  }
0xf: {  	[smem:$0x3FB4] =	sst s7  }
0x10: {  	[smem:$0x3FB5] =	sst s8  }
0x11: {  	[smem:$0x3FB6] =	sst s9;
	s0 =	simm.s32 @!p0 $0x0  }
0x12: {  	s1 =	sld [smem:$0x3F9C];
	s0 =	simm.s32 @p0 $0x1  }
0x13: {  	[smem:$0x3FB7] =	sst s0;
	s0 =	simm.s32 @!p1 $0x0  }
0x14: {  	s2 =	sld [smem:$0x3F9B];
	s0 =	simm.s32 @p1 $0x1  }
0x15: {  	[smem:$0x3FB8] =	sst s0;
	s0 =	simm.s32 @!p2 $0x0  }
0x16: {  	s3 =	sld [smem:$0x3FDB];
	s0 =	simm.s32 @p2 $0x1  }
0x17: {  	s4 =	simm.s32 $0x1BF5;
	[smem:$0x3FBA] =	sst s0  }
0x18: {  	s0 =	sld [smem:$0x3F9D];
	_ =	swait.ge [sflag:s4], $0x0  }
0x19: {  	s7 =	sld [smem:$0x3F9E]  }
0x1a: {  	s8 =	sadd.s32 $0xFFFFE003, lr  }
0x1b: {  	s9 =	sadd.s32 $0xFFFFFEF7, lr;
	s5 =	simm.s32 $0xFFFFFFFF;
	p2 =	slt.u32 s8, $0xFFFFF086  }
0x1c: {  	p1 =	slt.u32 s9, $0xF7A;
	s5 =	simm.s32 @!p2 $0x0  }
0x1d: {  	s5 =	simm.s32 @p1 $0x1;
	p0 =	seq.s32 s7, s2  }
0x1e: {  	s7 =	smul.u32 @!p0 $0xF7A, s2;
	p2 =	seq.s32 @!p0 s5, $0x0  }
0x1f: {  	s9 =	smul.u32 $0xF7A, s1;
	s8 =	simm.s32 @!p0 $0x1BF5;
	p2 =	por !p2, p0  }
0x20: {  	[sflag:s8] =	ssyncset.s32 @!p0 $0xFFFFF086;
	s6 =	sadd.s32 @!p0 s3, s7;
	s7 =	simm.s32 @!p0 $0x108  }
0x21: {  	s3 =	sadd.s32 s3, s9;
	s6 =	sadd.s32 @!p0 $0x88, s6;
	s7 =	simm.s32 @p2 $0x1082  }
0x22: {  	[simem:s7], [sflag:s8] =	dma.local @!p0 [hbm:s6], $0xF7A  }
0x23: {  	s9 =	sor.u32 $0xD0000000, s2;
	s6 =	simm.s32 $0x108;
	_ =	swait.ge @!p0 [sflag:s8], $0x0  }
0x24: {  	s3 =	sadd.s32 $0x88, s3;
	s6 =	simm.s32 @!p1 $0x1082;
	[sflag:s4] =	ssyncset.s32 $0xFFFFF086  }
0x25: {  	[simem:s6], [sflag:s4] =	dma.local [hbm:s3], $0xF7A  }
0x26: {  	[smem:$0x3F9E] =	sst s1;
	(tag) =	ssettag s2;
	_ =	strace s9  }
0x27: {  	s1 =	sld [smem:$0x3FAE]  }
0x28: {  	s2 =	sld [smem:$0x3FAF]  }
0x29: {  	s4 =	sld [smem:$0x3FB1]  }
0x2a: {  	p0 =	seq.s32 s5, $0x0;
	s5 =	sld [smem:$0x3FB2]  }
0x2b: {  	s6 =	sld [smem:$0x3FB3]  }
0x2c: {  	s7 =	sld [smem:$0x3FB4]  }
0x2d: {  	s3 =	simm.s32 $0x108;
	s8 =	sld [smem:$0x3FB5]  }
0x2e: {  	s3 =	simm.s32 @!p0 $0x1082;
	s9 =	sld [smem:$0x3FB6]  }
0x2f: {  	lr =	sadd.s32 s0, s3;
	s0 =	sld [smem:$0x3FAD]  }
0x30: {  	s3 =	sld [smem:$0x3FB0]  }
0x31: {  	[smem:$0x3FB9] =	sst s10  }
0x32: {  	s10 =	sld [smem:$0x3FB7];
	_ =	sdelay $0x3  }
0x33: {  	p0 =	seq.s32 s10, $0x1;
	s10 =	sld [smem:$0x3FB9];
	_ =	sdelay $0x3  }
0x34: {  	[smem:$0x3FB9] =	sst s10  }
0x35: {  	s10 =	sld [smem:$0x3FB8];
	_ =	sdelay $0x3  }
0x36: {  	p1 =	seq.s32 s10, $0x1;
	s10 =	sld [smem:$0x3FB9];
	_ =	sdelay $0x3  }
0x37: {  	[smem:$0x3FB9] =	sst s10  }
0x38: {  	s10 =	sld [smem:$0x3FBA]  }
0x39: {  	_ = 	snop;
	(pc) =	sbr.ind lr, $3  }
0x3a: {  	_ = 	snop  }
0x3b: {  	_ = 	snop  }
0x3c: {  	p2 =	seq.s32 s10, $0x1;
	s10 =	sld [smem:$0x3FB9]  }
0x3d: {  	_ =	shalt  }
0x3e: {  	_ =	shalt  }
0x3f: {  	_ =	shalt  }
0x40: {  	_ =	shalt  }
0x41: {  	_ =	shalt  }
0x42: {  	_ =	shalt  }
0x43: {  	_ =	shalt  }
0x44: {  	_ =	shalt  }
0x45: {  	_ =	shalt  }
0x46: {  	_ =	shalt  }
0x47: {  	_ =	shalt  }
0x48: {  	_ =	shalt  }
0x49: {  	_ =	shalt  }
0x4a: {  	_ =	shalt  }
0x4b: {  	_ =	shalt  }
0x4c: {  	_ =	shalt  }
0x4d: {  	_ =	shalt  }
0x4e: {  	_ =	shalt  }
0x4f: {  	_ =	shalt  }
0x50: {  	_ =	shalt  }
0x51: {  	_ =	shalt  }
0x52: {  	_ =	shalt  }
0x53: {  	_ =	shalt  }
0x54: {  	_ =	shalt  }
0x55: {  	_ =	shalt  }
0x56: {  	_ =	shalt  }
0x57: {  	_ =	shalt  }
0x58: {  	_ =	shalt  }
0x59: {  	_ =	shalt  }
0x5a: {  	_ =	shalt  }
0x5b: {  	_ =	shalt  }
0x5c: {  	_ =	shalt  }
0x5d: {  	_ =	shalt  }
0x5e: {  	_ =	shalt  }
0x5f: {  	_ =	shalt  }
0x60: {  	_ =	shalt  }
0x61: {  	_ =	shalt  }
0x62: {  	_ =	shalt  }
0x63: {  	_ =	shalt  }
0x64: {  	_ =	shalt  }
0x65: {  	_ =	shalt  }
0x66: {  	_ =	shalt  }
0x67: {  	_ =	shalt  }
0x68: {  	_ =	shalt  }
0x69: {  	_ =	shalt  }
0x6a: {  	_ =	shalt  }
0x6b: {  	_ =	shalt  }
0x6c: {  	_ =	shalt  }
0x6d: {  	_ =	shalt  }
0x6e: {  	_ =	shalt  }
0x6f: {  	_ =	shalt  }
0x70: {  	_ =	shalt  }
0x71: {  	_ =	shalt  }
0x72: {  	_ =	shalt  }
0x73: {  	_ =	shalt  }
0x74: {  	_ =	shalt  }
0x75: {  	_ =	shalt  }
0x76: {  	_ =	shalt  }
0x77: {  	_ =	shalt  }
0x78: {  	_ =	shalt  }
0x79: {  	_ =	shalt  }
0x7a: {  	_ =	shalt  }
0x7b: {  	_ =	shalt  }
0x7c: {  	_ =	shalt  }
0x7d: {  	_ =	shalt  }
0x7e: {  	_ =	shalt  }
0x7f: {  	_ =	shalt  }
0x80: {  	_ =	shalt  }
0x81: {  	_ =	shalt  }
0x82: {  	_ =	shalt  }
0x83: {  	_ =	shalt  }
0x84: {  	_ =	shalt  }
0x85: {  	_ =	shalt  }
0x86: {  	_ =	shalt  }
0x87: {  	_ =	shalt  }
.Lfunc_end0:
.L_simem_size_0:
called_computation_lowered:
.L_overlay_start_0:
0x88: {  	s2 =	sld [smem:$0x3FD9]  }
0x89: {  	s3 =	sld [smem:$0x3FFE];
	_ =	sdelay $0x1  }
0x8a: {  	s1 =	srdreg.scid  }
0x8b: {  	s0 =	sand.u32 $0x1, s1  }
0x8c: {  	s14 =	sshll.u32 s0, $0xA;
	s2 =	sadd.s32 s3, s2  }
0x8d: {  	s2 =	sadd.s32 s2, s14  }
0x8e: {  	[smem:$0x3FC5] =	sst s2  }
0x8f: {  	_ = 	snop  }
0x90: {  	s2 =	sld [smem:$0x3FD0];
	_ =	sdelay $0x2  }
0x91: {  	s4 =	simm.s32 $0xA;
	s5 =	simm.s32 $0x10;
	s15 =	sld [smem:$0x3FC7]  }
0x92: {  	[smem:s5], [sflag:s4] =	dma.local [hbm:s2], $0x1  }
0x93: {  	_ =	swait.eq [sflag:s4], $0x1  }
0x94: {  	[sflag:s4] =	ssyncset.done $0x0  }
0x95: {  	[sflag:s4] =	ssyncadd.s32 $0xFFFFFFFF  }
0x96: {  	s16 =	sld [smem:$0x11];
	(tm) =	ssettm $0x1  }
0x97: {  	s17 =	sld [smem:$0x3FFB];
	_ =	sdelay $0x3  }
0x98: {  	_ =	strace s17  }
0x99: {  	s4 =	sld [smem:$0x3FFC];
	_ =	sdelay $0x3  }
0x9a: {  	_ =	strace s4  }
0x9b: {  	s4 =	sld [smem:$0x3FFD];
	_ =	sdelay $0x3  }
0x9c: {  	_ =	strace s4  }
0x9d: {  	_ =	strace $0x8FFFFFFF  }
0x9e: {  	s18 =	sld [smem:$0x3FDB];
	_ =	sdelay $0x1  }
0x9f: {  	s19 =	simm.s32 $_scs_section_size  }
0xa0: {  	s6 =	simm.s32 $_size__tile_overlayer_lowered;
	s7 =	simm.s32 $_tile_overlayer_lowered  }
0xa1: {  	s22 =	simm.s32 $0x1BFF;
	s21 =	sshll.u32 s7, $0x1;
	s4 =	sadd.s32 s19, s18  }
0xa2: {  	s8 =	simm.s32 $0x0;
	s20 =	sshll.u32 s6, $0x1;
	s6 =	sadd.s32 s21, s4  }
0xa3: {  	[timem:s8], [sflag:s22] =	dma.local [hbm:s6], s20  }
0xa4: {  	_ =	swait.ge [sflag:s22], s20  }
0xa5: {  	s5 =	ssub.s32 $0x0, s20;
	[sflag:s22] =	ssyncset.done $0x0  }
0xa6: {  	[sflag:s22] =	ssyncadd.s32 s5;
	_ =	sdelay $0x1  }
0xa7: {  	s23 =	simm.s32 $0x1B8B  }
0xa8: {  	_ =	swait.ge [sflag:s23], $0x1  }
0xa9: {  	[sflag:s23] =	ssyncset.done $0x0  }
0xaa: {  	s25 =	simm.s32 $0x1B8E;
	s24 =	sld [smem:$0x3FFE];
	[sflag:s23] =	ssyncadd.s32 $0xFFFFFFFF  }
0xab: {  	s26 =	simm.s32 $execute0_lowered;
	[smem:$0x3FD2] =	sst s25  }
0xac: {  	s6 =	sshll.u32 s26, $0x1;
	_ =	strace $0x80000046;
	[dreg:$0x1] =	wrdreg $0xFFFFFFFF  }
0xad: {  	s28 =	simm.s32 $_size_execute0_lowered;
	s4 =	sadd.s32 s4, s6;
	[dreg:$0x0] =	wrdreg $0x0  }
0xae: {  	s6 =	sshll.u32 s28, $0x1;
	[dreg:$0x2] =	wrdreg s4  }
0xaf: {  	[dreg:$0x3] =	wrdreg s6  }
0xb0: {  	[dreg:$0x4] =	wrdreg $0xC0  }
0xb1: {  	_ =	task [dreg:s8], $0x5FFFF  }
0xb2: {  	[dreg:$0x1] =	wrdreg $0xFFFFFFFF  }
0xb3: {  	[dreg:$0x0] =	wrdreg $0x60  }
0xb4: {  	[dreg:$0x2] =	wrdreg s15  }
0xb5: {  	[dreg:$0x3] =	wrdreg s16  }
0xb6: {  	[dreg:$0x4] =	wrdreg s24  }
0xb7: {  	[dreg:$0x5] =	wrdreg $0x9  }
0xb8: {  	_ =	task.clear_ibuf [dreg:s8], $0x6FFFF;
	_ =	strace $0x90000046  }
0xb9: {  	s29 =	simm.s32 $0x9;
	_ =	strace $0x80000048  }
0xba: {  	_ =	swait.ge [sflag:s29], $0x1  }
0xbb: {  	[sflag:s29] =	ssyncadd.s32 $0xFFFFFFFF  }
0xbc: {  	_ =	strace $0x90000048  }
0xbd: {  	_ =	sfence  }
0xbe: {  	s30 =	sld [smem:$0x0];
	_ =	sdelay $0x2  }
0xbf: {  	s31 =	sshll.u32 s1, $0xD;
	s1 =	sshrl.u32 s1, $0x2  }
0xc0: {  	s3 =	sand.u32 $0x4000, s31;
	s1 =	sadd.s32 s1, s30  }
0xc1: {  	s0 =	sor.u32 s3, s0;
	s1 =	sshll.u32 s1, $0x11  }
0xc2: {  	s0 =	sor.u32 s1, s0  }
0xc3: {  	s0 =	sadd.s32 $0x8F2B, s0  }
0xc4: {  	[sflag:s0] =	ssyncadd.remote.s32 $0x1  }
0xc5: {  	_ =	sfence.sel $0xFFFF  }
0xc6: {  	[dreg:$0x0] =	wrdreg $0xFFFFFFFF;
	(pc) =	sbr.abs _section_cstart, $3  }
0xc7: {  	[dreg:$0x1] =	wrdreg $0xFFFFFFFF  }
0xc8: {  	_ =	task.clear_ibuf [dreg:s8], $0x2FFFF;
	_ =	strace $0x9FFFFFFF  }
0xc9: {  	(tm) =	ssettm $0x7FFFFFFF  }
tec
execute0_lowered:
.L_overlay_start_1:
0x0: {  	(tag) =	ssettag $0x1  }
0x1: {  	s2 =	rddreg [dreg:$0x0]  }
0x2: {  	s4 =	rddreg [dreg:$0x1]  }
0x3: {  	s14 =	rddreg [dreg:$0x2];
	s3 =	srdreg.scid  }
0x4: {  	s0 =	rddreg [dreg:$0x3];
	s1 =	stileid.u32;
	s12 =	sand.u32 $0x1, s3  }
0x5: {  	s3 =	simm.s32 $0x0;
	s5 =	sshll.u32 s1, $0x7;
	s6 =	sshll.u32 s12, $0x6  }
0x6: {  	[smem:$0x7FF] =	sst s3;
	s15 =	sor.u32 s6, s5  }
0x7: {  	_ =	strace $0x80000047;
	s5 =	sadd.s32 s4, s15;
	s4 =	simm.s32 $0x2  }
0x8: {  	[tilespmem:s3], [sflag:$0x2] =	stream.linear.gather [hbm4b:s5+s3], $0x200, $0x38;
	[tilespmem:$0x400] =	vst v63  }
0x9: {  	_ =	swait.ge [sflag:s4], $0x200  }
0xa: {  	s7 =	simm.s32 $0x200;
	[sflag:s4] =	ssyncset.done $0x0  }
0xb: {  	s8 =	simm.s32 $0x1;
	s6 =	simm.s32 $0x80;
	[sflag:s4] =	ssyncadd.s32 $0xFFFFFE00  }
0xc: {  	[tilespmem:s7], [sflag:$0x1] =	stream.indirect.gather [hbm4b:s2+s6], $0x1, s3, s6, $0xb8;
	[tilespmem:$0x400] =	vst v63  }
0xd: {  	_ =	swait.ge [sflag:s8], $0x80  }
0xe: {  	[sflag:s8] =	ssyncset.done $0x0  }
0xf: {  	s9 =	simm.s32 $0x280;
	[sflag:s8] =	ssyncadd.s32 $0xFFFFFF80  }
0x10: {  	[tilespmem:s9], [sflag:$0x1] =	stream.indirect.gather [hbm4b:s2+s6], $0x1, s6, s6, $0xb8;
	[tilespmem:$0x400] =	vst v63  }
0x11: {  	_ =	swait.ge [sflag:s8], $0x80  }
0x12: {  	s10 =	simm.s32 $0x100;
	[sflag:s8] =	ssyncset.done $0x0  }
0x13: {  	s11 =	simm.s32 $0x300;
	s16 =	ssub.s32 $0x2, s12;
	[sflag:s8] =	ssyncadd.s32 $0xFFFFFF80  }
0x14: {  	[tilespmem:s11], [sflag:$0x1] =	stream.indirect.gather [hbm4b:s2+s6], $0x1, s10, s6, $0xb8;
	[tilespmem:$0x400] =	vst v63  }
0x15: {  	s13 =	simm.s32 $0x380;
	s17 =	sshrl.u32 s16, $0x1;
	_ =	swait.ge [sflag:s8], $0x80  }
0x16: {  	s12 =	simm.s32 $0x180;
	s31 =	ssub.s32 s16, s17;
	[sflag:s8] =	ssyncset.done $0x0  }
0x17: {  	s14 =	sadd.s32 s15, s14;
	s15 =	smax.u32 s31, $0x1;
	[sflag:s8] =	ssyncadd.s32 $0xFFFFFF80  }
0x18: {  	[tilespmem:s13], [sflag:$0x1] =	stream.indirect.gather [hbm4b:s2+s6], $0x1, s12, s6, $0xb8;
	[tilespmem:$0x400] =	vst v63  }
0x19: {  	p0 =	sne.s32 s15, $0x1;
	_ =	swait.ge [sflag:s8], $0x80  }
.Ltmp0:
0x1a: {  	[sflag:s8] =	ssyncset.done $0x0;
	(pc) =	sbr.rel @!p0 .LBB2_2-.Ltmp0, $4  }
0x1b: {  	s14 =	sadd.s32 $0x400, s14;
	[sflag:s8] =	ssyncadd.s32 $0xFFFFFF80  }
0x1c: {  	[hbm4b:s14+s3] =	stream.linear.scatter [tilespmem:s7], [sflag:$0x2], $0x200, $0x38;
	[tilespmem:$0x400] =	vst v63  }
0x1d: {  	_ =	swait.ge [sflag:s4], $0x200  }
0x1e: {  	s15 =	sadd.s32 $0xFFFFFFFF, s15;
	[sflag:s4] =	ssyncset.done $0x0  }
.LBB2_1:
0x1f: {  	p0 =	sne.s32 s15, $0x1;
	s15 =	sadd.s32 $0xFFFFFFFF, s15;
	[sflag:s4] =	ssyncadd.s32 $0xFFFFFE00  }
0x20: {  	[tilespmem:s3], [sflag:$0x2] =	stream.linear.gather [hbm4b:s5+s3], $0x200, $0x38;
	[tilespmem:$0x400] =	vst v63  }
0x21: {  	_ =	swait.ge [sflag:s4], $0x200  }
0x22: {  	[sflag:s4] =	ssyncset.done $0x0  }
0x23: {  	[sflag:s4] =	ssyncadd.s32 $0xFFFFFE00  }
0x24: {  	[tilespmem:s7], [sflag:$0x1] =	stream.indirect.gather [hbm4b:s2+s6], $0x1, s3, s6, $0xb8;
	[tilespmem:$0x400] =	vst v63  }
0x25: {  	_ =	swait.ge [sflag:s8], $0x80  }
0x26: {  	[sflag:s8] =	ssyncset.done $0x0  }
0x27: {  	[sflag:s8] =	ssyncadd.s32 $0xFFFFFF80  }
0x28: {  	[tilespmem:s9], [sflag:$0x1] =	stream.indirect.gather [hbm4b:s2+s6], $0x1, s6, s6, $0xb8;
	[tilespmem:$0x400] =	vst v63  }
0x29: {  	_ =	swait.ge [sflag:s8], $0x80  }
0x2a: {  	[sflag:s8] =	ssyncset.done $0x0  }
0x2b: {  	[sflag:s8] =	ssyncadd.s32 $0xFFFFFF80  }
0x2c: {  	[tilespmem:s11], [sflag:$0x1] =	stream.indirect.gather [hbm4b:s2+s6], $0x1, s10, s6, $0xb8;
	[tilespmem:$0x400] =	vst v63  }
0x2d: {  	_ =	swait.ge [sflag:s8], $0x80  }
0x2e: {  	[sflag:s8] =	ssyncset.done $0x0  }
0x2f: {  	[sflag:s8] =	ssyncadd.s32 $0xFFFFFF80  }
0x30: {  	[tilespmem:s13], [sflag:$0x1] =	stream.indirect.gather [hbm4b:s2+s6], $0x1, s12, s6, $0xb8;
	[tilespmem:$0x400] =	vst v63  }
0x31: {  	_ =	swait.ge [sflag:s8], $0x80  }
.Ltmp1:
0x32: {  	[sflag:s8] =	ssyncset.done $0x0;
	(pc) =	sbr.rel @p0 .LBB2_1-.Ltmp1, $4  }
0x33: {  	[sflag:s8] =	ssyncadd.s32 $0xFFFFFF80  }
0x34: {  	[hbm4b:s14+s3] =	stream.linear.scatter [tilespmem:s7], [sflag:$0x2], $0x200, $0x38;
	[tilespmem:$0x400] =	vst v63  }
0x35: {  	_ =	swait.ge [sflag:s4], $0x200  }
0x36: {  	[sflag:s4] =	ssyncset.done $0x0  }
.LBB2_2:
0x37: {  	[sflag:s4] =	ssyncadd.s32 $0xFFFFFE00  }
0x38: {  	_ =	sfence.sel $0x180000  }
0x39: {  	[bflag:$0x0] =	sbarrier.arrive $0xFFFF  }
0x3a: {  	p0 =	sne.s32 s1, $0x0;
	_ =	strace $0x90000047  }
0x3b: {  	s0 =	sadd.s32 @!p0 $0x100000, s0;
	[bflag:$0x2] =	sbarrier.arrive $0xFFFF  }
0x3c: {  	[sflag:s0] =	ssyncadd.tile.s32 @!p0 $0x1;
	_ =	shalt  }
.Lfunc_end2:
_tile_overlayer_lowered:
.L_overlay_start_2:
0x3d: {  	(tag) =	ssettag $0x2  }
0x3e: {  	s0 =	rddreg [dreg:$0x0];
	s2 =	stileid.u32  }
0x3f: {  	s1 =	rddreg [dreg:$0x1];
	p0 =	sne.s32 s2, $0x0  }
0x40: {  	s3 =	rddreg [dreg:$0x2];
	[bflag:$0x3] =	sbarrier.arrive $0xFFFF;
	s2 =	simm.s32 @!p0 $0x1C02  }
0x41: {  	[timem:s3], [sflag:s2] =	dma.local @!p0 [hbm:s0], s1  }
0x42: {  	s0 =	simm.s32 @!p0 $0x2  }
0x43: {  	_ =	swait.ge @!p0 [sflag:s0], s1  }
0x44: {  	s1 =	ssub.s32 @!p0 $0x0, s1;
	[sflag:s0] =	ssyncset.done @!p0 $0x0  }
0x45: {  	[sflag:s0] =	ssyncadd.s32 @!p0 s1  }
0x46: {  	[bflag:$0x3] =	sbarrier.arrive $0xFFFF  }
0x47: {  	_ =	shalt  }

</sc_bundles>
